<compile_context>
chip_gen: v7x
topology: tpu7x:2x2x1
jax: 0.10.2.dev20260603
libtpu: 0.0.44.dev20260713+nightly
codegen_flags: <defaults>
</compile_context>

<pallas_src>
import functools

import jax
import jax.numpy as jnp
from jax import lax
from jax.experimental import pallas as pl
from jax.experimental.pallas import tpu as pltpu
from jax.experimental.pallas import tpu_sc as plsc
from jax._src.pallas import mpmd as _pl_mpmd

B = 4096
N_HIST = 20
CAP_LEN = 50
TOK = N_HIST + CAP_LEN
ACT_VOCAB = 1000
CAP_VOCAB = 100000
DIM = 128

_CAP_BLK = 10000

_NC = 2
_NS = 16
_NW = _NC * _NS
_BPW = B // _NW
_NBUF = 6
_DIST = 3


def _proj_block(x_ref, w_ref, b_ref, o_ref):
    o_ref[...] = (
        jnp.dot(x_ref[...], w_ref[...], preferred_element_type=jnp.float32)
        + b_ref[...]
    )


def _project_actions(action_emb, Wa, ba):
    return pl.pallas_call(
        _proj_block,
        out_shape=jax.ShapeDtypeStruct((ACT_VOCAB, DIM), jnp.float32),
    )(action_emb, Wa, ba.reshape(1, DIM))


def _project_captions(caption_emb, Wc, bc):
    n_blocks = CAP_VOCAB // _CAP_BLK
    return pl.pallas_call(
        _proj_block,
        grid=(n_blocks,),
        in_specs=[
            pl.BlockSpec((_CAP_BLK, DIM), lambda i: (i, 0)),
            pl.BlockSpec((DIM, DIM), lambda i: (0, 0)),
            pl.BlockSpec((1, DIM), lambda i: (0, 0)),
        ],
        out_specs=pl.BlockSpec((_CAP_BLK, DIM), lambda i: (i, 0)),
        out_shape=jax.ShapeDtypeStruct((CAP_VOCAB, DIM), jnp.float32),
    )(caption_emb, Wc, bc.reshape(1, DIM))


def _ring_gather(tbl, idx_v, n, tbase, out_hbm, bufs, gsem, osem, cb):
    dist = min(_DIST, n)
    for t in range(dist):
        pltpu.make_async_copy(
            tbl.at[idx_v.at[t]], bufs.at[t % _NBUF], gsem
        ).start()

    def body(i, carry):
        @pl.when(i >= dist)
        def _():
            pltpu.make_async_copy(
                bufs.at[(i - dist) % _NBUF],
                out_hbm.at[tbase + i - dist, pl.ds(cb, _BPW)],
                osem,
            ).wait()

        @pl.when(i < n - dist)
        def _():
            pltpu.make_async_copy(
                tbl.at[idx_v.at[i + dist]],
                bufs.at[(i + dist) % _NBUF],
                gsem,
            ).start()

        pltpu.make_async_copy(
            tbl.at[idx_v.at[i]], bufs.at[i % _NBUF], gsem
        ).wait()
        pltpu.make_async_copy(
            bufs.at[i % _NBUF], out_hbm.at[tbase + i, pl.ds(cb, _BPW)], osem
        ).start()
        return carry

    lax.fori_loop(0, n, body, 0)

    for t in range(n - dist, n):
        pltpu.make_async_copy(
            bufs.at[t % _NBUF], out_hbm.at[tbase + t, pl.ds(cb, _BPW)], osem
        ).wait()


def _gather_actions(pa, ia):
    mesh = plsc.VectorSubcoreMesh(core_axis_name="c", subcore_axis_name="s")

    @functools.partial(
        pl.kernel,
        mesh=mesh,
        out_type=jax.ShapeDtypeStruct((TOK, B, DIM), jnp.float32),
        scratch_types=[
            pltpu.VMEM((N_HIST, _BPW), jnp.int32),
            pltpu.VMEM((_NBUF, _BPW, DIM), jnp.float32),
            pltpu.SemaphoreType.DMA,
            pltpu.SemaphoreType.DMA,
        ],
    )
    def k(pa_hbm, ia_hbm, out_hbm, ia_v, bufs, gsem, osem):
        wid = lax.axis_index("s") * _NC + lax.axis_index("c")
        cb = wid * _BPW
        pltpu.sync_copy(ia_hbm.at[wid], ia_v)
        _ring_gather(pa_hbm, ia_v, N_HIST, 0, out_hbm, bufs, gsem, osem, cb)

    return k(pa, ia)


def _gather_captions(pc, ic, prev):
    mesh = plsc.VectorSubcoreMesh(core_axis_name="c", subcore_axis_name="s")

    def k(pc_hbm, ic_hbm, prev_hbm, out_hbm, ic_v, bufs, gsem, osem):
        del prev_hbm
        wid = lax.axis_index("s") * _NC + lax.axis_index("c")
        cb = wid * _BPW
        pltpu.sync_copy(ic_hbm.at[wid], ic_v)
        _ring_gather(pc_hbm, ic_v, CAP_LEN, N_HIST, out_hbm, bufs, gsem, osem, cb)

    f = _pl_mpmd._mpmd_map(
        [(mesh, k)],
        jax.ShapeDtypeStruct((TOK, B, DIM), jnp.float32),
        input_output_aliases={2: 0},
        scratch_types=[
            pltpu.VMEM((CAP_LEN, _BPW), jnp.int32),
            pltpu.VMEM((_NBUF, _BPW, DIM), jnp.float32),
            pltpu.SemaphoreType.DMA,
            pltpu.SemaphoreType.DMA,
        ],
    )
    return f(pc, ic, prev)


def kernel(actions, captions, action_emb, Wa, ba, caption_emb, Wc, bc):
    pa = _project_actions(action_emb, Wa, ba)
    pc = _project_captions(caption_emb, Wc, bc)
    ia = actions.reshape(_NW, _BPW, N_HIST).transpose(0, 2, 1)
    ic = captions.reshape(_NW, _BPW, CAP_LEN).transpose(0, 2, 1)
    out_a = _gather_actions(pa, ia)
    out_t = _gather_captions(pc, ic, out_a)
    enc = out_t.transpose(1, 0, 2)
    obs_mask = jnp.concatenate(
        [jnp.zeros((B, N_HIST), dtype=bool), jnp.ones((B, CAP_LEN), dtype=bool)],
        axis=1,
    )
    return enc, obs_mask

# --- scband reference (transcript-rebuilt; emitter-appended) ---
"""Pipeline reference for scband-action-text-conditioner-36421322670273 (READ-ONLY COPY).

The authoritative reference and input builder live on the scoring server;
editing this copy changes nothing except your own understanding.
"""

import jax, jax.numpy as jnp
import numpy as np

B = 4096
N_HIST = 20
CAP_LEN = 50
ACT_VOCAB = 1000
CAP_VOCAB = 100000
ACT_DIM = 128
CAP_DIM = 128
OUT = 128


def setup_inputs(seed: int = 0) -> dict:
    key = jax.random.key(seed)
    ks = jax.random.split(key, 8)
    actions = jax.random.randint(ks[0], (B, N_HIST), 0, ACT_VOCAB, dtype=jnp.int32)
    captions = jax.random.randint(ks[1], (B, CAP_LEN), 0, CAP_VOCAB, dtype=jnp.int32)
    action_emb = jax.random.normal(ks[2], (ACT_VOCAB, ACT_DIM), dtype=jnp.float32) * 0.02
    Wa = jax.random.normal(ks[3], (ACT_DIM, OUT), dtype=jnp.float32) * 0.05
    ba = jnp.zeros((OUT,), dtype=jnp.float32)
    caption_emb = jax.random.normal(ks[4], (CAP_VOCAB, CAP_DIM), dtype=jnp.float32) * 0.02
    Wc = jax.random.normal(ks[5], (CAP_DIM, OUT), dtype=jnp.float32) * 0.05
    bc = jnp.zeros((OUT,), dtype=jnp.float32)
    return {"actions": actions, "captions": captions, "action_emb": action_emb,
            "Wa": Wa, "ba": ba, "caption_emb": caption_emb, "Wc": Wc, "bc": bc}


def reference(actions, captions, action_emb, Wa, ba, caption_emb, Wc, bc):
    # actions: learned embedding -> linear projection
    act_tokens = jnp.take(action_emb, actions, axis=0) @ Wa + ba  # [B, N_HIST, OUT]
    # captions: learned embedding -> linear projection
    cap_tokens = jnp.take(caption_emb, captions, axis=0) @ Wc + bc  # [B, CAP_LEN, OUT]
    enc = jnp.concatenate([act_tokens, cap_tokens], axis=1)  # [B, N_HIST+CAP_LEN, OUT]
    # dropout p=0.0 -> identity
    bsz = actions.shape[0]
    obs_mask = jnp.concatenate([
        jnp.zeros((bsz, actions.shape[1]), dtype=bool),
        jnp.ones((bsz, captions.shape[1]), dtype=bool),
    ], axis=1)
    return enc, obs_mask

if __name__ == "__main__":
    import jax
    _d = setup_inputs()
    print(jax.jit(kernel)(*tuple(_d.values())))

</pallas_src>

<mosaic_0001>
#map = affine_map<(d0, d1) -> (0, 0)>
#map1 = affine_map<(d0, d1) -> (0, 0, 0)>
module attributes {stable_mosaic.version = 14 : i64} {
  func.func @k(%arg0: i32, %arg1: i32, %arg2: memref<1000x128xf32, #tpu.memory_space<hbm>>, %arg3: memref<32x20x128xi32, #tpu.memory_space<hbm>>, %arg4: memref<70x4096x128xf32, #tpu.memory_space<hbm>>, %arg5: memref<20x128xi32, #tpu.memory_space<vmem>>, %arg6: memref<6x128x128xf32, #tpu.memory_space<vmem>>, %arg7: memref<!tpu.dma_semaphore, #tpu.memory_space<semaphore_mem>>, %arg8: memref<!tpu.dma_semaphore, #tpu.memory_space<semaphore_mem>>) attributes {dimension_semantics = [#tpu.dimension_semantics<core_parallel>, #tpu.dimension_semantics<subcore_parallel>], iteration_bounds = array<i64: 2, 16>, scalar_prefetch = 0 : i64, scratch_operands = 4 : i64, tpu.core_type = #tpu.core_type<sc_vector_subcore>, window_params = [{transform_indices = #map}, {transform_indices = #map1}, {transform_indices = #map1}]} {
    %mul3A = arith.constant 2 : i32
    %mul3A_0 = arith.muli %arg1, %mul3A : i32
    %add3A = arith.addi %mul3A_0, %arg0 : i32
    %mul3A_1 = arith.constant 128 : i32
    %mul3A_2 = arith.muli %add3A, %mul3A_1 : i32
    "tpu.region"() ({
      %run_scoped3A = tpu.sem_alloc : memref<!tpu.dma_semaphore, #tpu.memory_space<semaphore_mem>>
      %dma_start3A_90 = arith.constant 0 : i32
      %dma_start3A_91 = arith.constant 0 : i32
      %dma_start3A_92 = tpu.memref_slice %arg3[%add3A, %dma_start3A_90, %dma_start3A_91] : memref<32x20x128xi32, #tpu.memory_space<hbm>> -> memref<1x20x128xi32, #tpu.memory_space<hbm>>
      %dma_start3A_93 = tpu.memref_squeeze %dma_start3A_92 : memref<1x20x128xi32, #tpu.memory_space<hbm>> -> memref<20x128xi32, #tpu.memory_space<hbm>>
      %dma_start3A_94 = arith.constant 0 : i32
      %dma_start3A_95 = arith.constant 0 : i32
      %dma_start3A_96 = tpu.memref_slice %arg3[%add3A, %dma_start3A_94, %dma_start3A_95] : memref<32x20x128xi32, #tpu.memory_space<hbm>> -> memref<1x20x128xi32, #tpu.memory_space<hbm>>
      %dma_start3A_97 = tpu.memref_squeeze %dma_start3A_96 : memref<1x20x128xi32, #tpu.memory_space<hbm>> -> memref<20x128xi32, #tpu.memory_space<hbm>>
      tpu.enqueue_dma source(%dma_start3A_97 : memref<20x128xi32, #tpu.memory_space<hbm>>) target(%arg5 : memref<20x128xi32, #tpu.memory_space<vmem>>) target_semaphore(%run_scoped3A : memref<!tpu.dma_semaphore, #tpu.memory_space<semaphore_mem>>)
      %dma_wait3A_98 = arith.constant 0 : i32
      %dma_wait3A_99 = arith.constant 0 : i32
      %dma_wait3A_100 = tpu.memref_slice %arg3[%add3A, %dma_wait3A_98, %dma_wait3A_99] : memref<32x20x128xi32, #tpu.memory_space<hbm>> -> memref<1x20x128xi32, #tpu.memory_space<hbm>>
      %dma_wait3A_101 = tpu.memref_squeeze %dma_wait3A_100 : memref<1x20x128xi32, #tpu.memory_space<hbm>> -> memref<20x128xi32, #tpu.memory_space<hbm>>
      %dma_wait3A_102 = arith.constant 0 : i32
      %dma_wait3A_103 = arith.constant 0 : i32
      %dma_wait3A_104 = tpu.memref_slice %arg3[%add3A, %dma_wait3A_102, %dma_wait3A_103] : memref<32x20x128xi32, #tpu.memory_space<hbm>> -> memref<1x20x128xi32, #tpu.memory_space<hbm>>
      %dma_wait3A_105 = tpu.memref_squeeze %dma_wait3A_104 : memref<1x20x128xi32, #tpu.memory_space<hbm>> -> memref<20x128xi32, #tpu.memory_space<hbm>>
      tpu.wait_dma2 semaphore(%run_scoped3A : memref<!tpu.dma_semaphore, #tpu.memory_space<semaphore_mem>>) src(%dma_wait3A_105 : memref<20x128xi32, #tpu.memory_space<hbm>>) dst(%arg5 : memref<20x128xi32, #tpu.memory_space<vmem>>)
      tpu.yield
    }) : () -> ()
    %dma_start3A = arith.constant 0 : i32
    %dma_start3A_3 = arith.constant 0 : i32
    %dma_start3A_4 = arith.constant 0 : i32
    %dma_start3A_5 = arith.constant 0 : i32
    %dma_start3A_6 = tpu.memref_slice %arg6[%dma_start3A_3, %dma_start3A_4, %dma_start3A_5] : memref<6x128x128xf32, #tpu.memory_space<vmem>> -> memref<1x128x128xf32, #tpu.memory_space<vmem>>
    %dma_start3A_7 = tpu.memref_squeeze %dma_start3A_6 : memref<1x128x128xf32, #tpu.memory_space<vmem>> -> memref<128x128xf32, #tpu.memory_space<vmem>>
    %dma_start3A_8 = arith.constant 0 : i32
    %dma_start3A_9 = tpu.memref_slice %arg5[%dma_start3A, %dma_start3A_8] : memref<20x128xi32, #tpu.memory_space<vmem>> -> memref<1x128xi32, #tpu.memory_space<vmem>>
    %dma_start3A_10 = tpu.memref_squeeze %dma_start3A_9 : memref<1x128xi32, #tpu.memory_space<vmem>> -> memref<128xi32, #tpu.memory_space<vmem>>
    %dma_start3A_11 = arith.constant 0 : i32
    %dma_start3A_12 = arith.constant 0 : i32
    %dma_start3A_13 = tpu.memref_slice %arg2[%dma_start3A_11, %dma_start3A_12] : memref<1000x128xf32, #tpu.memory_space<hbm>> -> memref<1000x128xf32, #tpu.memory_space<hbm>>
    tpu.enqueue_indirect_dma source(%dma_start3A_13 : memref<1000x128xf32, #tpu.memory_space<hbm>>) target(%dma_start3A_7 : memref<128x128xf32, #tpu.memory_space<vmem>>) offsets(%dma_start3A_10 : memref<128xi32, #tpu.memory_space<vmem>>) semaphore(%arg7 : memref<!tpu.dma_semaphore, #tpu.memory_space<semaphore_mem>>)
    %dma_start3A_14 = arith.constant 1 : i32
    %dma_start3A_15 = arith.constant 1 : i32
    %dma_start3A_16 = arith.constant 0 : i32
    %dma_start3A_17 = arith.constant 0 : i32
    %dma_start3A_18 = tpu.memref_slice %arg6[%dma_start3A_15, %dma_start3A_16, %dma_start3A_17] : memref<6x128x128xf32, #tpu.memory_space<vmem>> -> memref<1x128x128xf32, #tpu.memory_space<vmem>>
    %dma_start3A_19 = tpu.memref_squeeze %dma_start3A_18 : memref<1x128x128xf32, #tpu.memory_space<vmem>> -> memref<128x128xf32, #tpu.memory_space<vmem>>
    %dma_start3A_20 = arith.constant 0 : i32
    %dma_start3A_21 = tpu.memref_slice %arg5[%dma_start3A_14, %dma_start3A_20] : memref<20x128xi32, #tpu.memory_space<vmem>> -> memref<1x128xi32, #tpu.memory_space<vmem>>
    %dma_start3A_22 = tpu.memref_squeeze %dma_start3A_21 : memref<1x128xi32, #tpu.memory_space<vmem>> -> memref<128xi32, #tpu.memory_space<vmem>>
    %dma_start3A_23 = arith.constant 0 : i32
    %dma_start3A_24 = arith.constant 0 : i32
    %dma_start3A_25 = tpu.memref_slice %arg2[%dma_start3A_23, %dma_start3A_24] : memref<1000x128xf32, #tpu.memory_space<hbm>> -> memref<1000x128xf32, #tpu.memory_space<hbm>>
    tpu.enqueue_indirect_dma source(%dma_start3A_25 : memref<1000x128xf32, #tpu.memory_space<hbm>>) target(%dma_start3A_19 : memref<128x128xf32, #tpu.memory_space<vmem>>) offsets(%dma_start3A_22 : memref<128xi32, #tpu.memory_space<vmem>>) semaphore(%arg7 : memref<!tpu.dma_semaphore, #tpu.memory_space<semaphore_mem>>)
    %dma_start3A_26 = arith.constant 2 : i32
    %dma_start3A_27 = arith.constant 2 : i32
    %dma_start3A_28 = arith.constant 0 : i32
    %dma_start3A_29 = arith.constant 0 : i32
    %dma_start3A_30 = tpu.memref_slice %arg6[%dma_start3A_27, %dma_start3A_28, %dma_start3A_29] : memref<6x128x128xf32, #tpu.memory_space<vmem>> -> memref<1x128x128xf32, #tpu.memory_space<vmem>>
    %dma_start3A_31 = tpu.memref_squeeze %dma_start3A_30 : memref<1x128x128xf32, #tpu.memory_space<vmem>> -> memref<128x128xf32, #tpu.memory_space<vmem>>
    %dma_start3A_32 = arith.constant 0 : i32
    %dma_start3A_33 = tpu.memref_slice %arg5[%dma_start3A_26, %dma_start3A_32] : memref<20x128xi32, #tpu.memory_space<vmem>> -> memref<1x128xi32, #tpu.memory_space<vmem>>
    %dma_start3A_34 = tpu.memref_squeeze %dma_start3A_33 : memref<1x128xi32, #tpu.memory_space<vmem>> -> memref<128xi32, #tpu.memory_space<vmem>>
    %dma_start3A_35 = arith.constant 0 : i32
    %dma_start3A_36 = arith.constant 0 : i32
    %dma_start3A_37 = tpu.memref_slice %arg2[%dma_start3A_35, %dma_start3A_36] : memref<1000x128xf32, #tpu.memory_space<hbm>> -> memref<1000x128xf32, #tpu.memory_space<hbm>>
    tpu.enqueue_indirect_dma source(%dma_start3A_37 : memref<1000x128xf32, #tpu.memory_space<hbm>>) target(%dma_start3A_31 : memref<128x128xf32, #tpu.memory_space<vmem>>) offsets(%dma_start3A_34 : memref<128xi32, #tpu.memory_space<vmem>>) semaphore(%arg7 : memref<!tpu.dma_semaphore, #tpu.memory_space<semaphore_mem>>)
    %scan3A = arith.constant 0 : i32
    %scan3A_38 = arith.constant 0 : i32
    %scan3A_39 = arith.constant 20 : i32
    %scan3A_40 = arith.addi %scan3A_38, %scan3A_39 : i32
    %scan3A_41 = arith.constant 1 : i32
    scf.for %scan3A_90 = %scan3A_38 to %scan3A_40 step %scan3A_41  : i32 {
      %ge3A = arith.constant 3 : i32
      %ge3A_91 = arith.cmpi sge, %scan3A_90, %ge3A : i32
      %convert_element_type3A = arith.extui %ge3A_91 : i1 to i32
      %cond3A = arith.constant 0 : i32
      %cond3A_92 = arith.cmpi ne, %convert_element_type3A, %cond3A : i32
      scf.if %cond3A_92 {
        %sub3A = arith.constant 3 : i32
        %sub3A_149 = arith.subi %scan3A_90, %sub3A : i32
        %jit3A_150 = arith.constant 6 : i32
        %eq3A_151 = arith.constant 0 : i32
        %eq3A_152 = arith.cmpi eq, %jit3A_150, %eq3A_151 : i32
        %jit3A_153 = arith.constant 1 : i32
        %select_n3A_154 = arith.select %eq3A_152, %jit3A_153, %jit3A_150 : i32
        %rem3A_155 = arith.remsi %sub3A_149, %select_n3A_154 : i32
        %ne3A_156 = arith.constant 0 : i32
        %ne3A_157 = arith.cmpi ne, %rem3A_155, %ne3A_156 : i32
        %lt3A_158 = arith.constant 0 : i32
        %lt3A_159 = arith.cmpi slt, %rem3A_155, %lt3A_158 : i32
        %lt3A_160 = arith.constant 0 : i32
        %lt3A_161 = arith.cmpi slt, %select_n3A_154, %lt3A_160 : i32
        %ne3A_162 = arith.xori %lt3A_159, %lt3A_161 : i1
        %and3A_163 = arith.andi %ne3A_162, %ne3A_157 : i1
        %add3A_164 = arith.addi %rem3A_155, %select_n3A_154 : i32
        %select_n3A_165 = arith.select %and3A_163, %add3A_164, %rem3A_155 : i32
        %add3A_166 = arith.constant 0 : i32
        %add3A_167 = arith.addi %add3A_166, %scan3A_90 : i32
        %sub3A_168 = arith.constant 3 : i32
        %sub3A_169 = arith.subi %add3A_167, %sub3A_168 : i32
        %dma_wait3A_170 = arith.constant 0 : i32
        %dma_wait3A_171 = arith.constant 0 : i32
        %dma_wait3A_172 = tpu.memref_slice %arg6[%select_n3A_165, %dma_wait3A_170, %dma_wait3A_171] : memref<6x128x128xf32, #tpu.memory_space<vmem>> -> memref<1x128x128xf32, #tpu.memory_space<vmem>>
        %dma_wait3A_173 = tpu.memref_squeeze %dma_wait3A_172 : memref<1x128x128xf32, #tpu.memory_space<vmem>> -> memref<128x128xf32, #tpu.memory_space<vmem>>
        %dma_wait3A_174 = arith.constant 0 : i32
        %dma_wait3A_175 = tpu.memref_slice %arg4[%sub3A_169, %mul3A_2, %dma_wait3A_174] : memref<70x4096x128xf32, #tpu.memory_space<hbm>> -> memref<1x128x128xf32, #tpu.memory_space<hbm>>
        %dma_wait3A_176 = tpu.memref_squeeze %dma_wait3A_175 : memref<1x128x128xf32, #tpu.memory_space<hbm>> -> memref<128x128xf32, #tpu.memory_space<hbm>>
        %dma_wait3A_177 = arith.constant 0 : i32
        %dma_wait3A_178 = tpu.memref_slice %arg4[%sub3A_169, %mul3A_2, %dma_wait3A_177] : memref<70x4096x128xf32, #tpu.memory_space<hbm>> -> memref<1x128x128xf32, #tpu.memory_space<hbm>>
        %dma_wait3A_179 = tpu.memref_squeeze %dma_wait3A_178 : memref<1x128x128xf32, #tpu.memory_space<hbm>> -> memref<128x128xf32, #tpu.memory_space<hbm>>
        %dma_wait3A_180 = arith.constant 0 : i32
        %dma_wait3A_181 = arith.constant 0 : i32
        %dma_wait3A_182 = tpu.memref_slice %arg6[%select_n3A_165, %dma_wait3A_180, %dma_wait3A_181] : memref<6x128x128xf32, #tpu.memory_space<vmem>> -> memref<1x128x128xf32, #tpu.memory_space<vmem>>
        %dma_wait3A_183 = tpu.memref_squeeze %dma_wait3A_182 : memref<1x128x128xf32, #tpu.memory_space<vmem>> -> memref<128x128xf32, #tpu.memory_space<vmem>>
        tpu.wait_dma2 semaphore(%arg8 : memref<!tpu.dma_semaphore, #tpu.memory_space<semaphore_mem>>) src(%dma_wait3A_183 : memref<128x128xf32, #tpu.memory_space<vmem>>) dst(%dma_wait3A_179 : memref<128x128xf32, #tpu.memory_space<hbm>>)
      } else {
      }
      %lt3A = arith.constant 17 : i32
      %lt3A_93 = arith.cmpi slt, %scan3A_90, %lt3A : i32
      %convert_element_type3A_94 = arith.extui %lt3A_93 : i1 to i32
      %cond3A_95 = arith.constant 0 : i32
      %cond3A_96 = arith.cmpi ne, %convert_element_type3A_94, %cond3A_95 : i32
      scf.if %cond3A_96 {
        %add3A_149 = arith.constant 3 : i32
        %add3A_150 = arith.addi %scan3A_90, %add3A_149 : i32
        %add3A_151 = arith.constant 3 : i32
        %add3A_152 = arith.addi %scan3A_90, %add3A_151 : i32
        %jit3A_153 = arith.constant 6 : i32
        %eq3A_154 = arith.constant 0 : i32
        %eq3A_155 = arith.cmpi eq, %jit3A_153, %eq3A_154 : i32
        %jit3A_156 = arith.constant 1 : i32
        %select_n3A_157 = arith.select %eq3A_155, %jit3A_156, %jit3A_153 : i32
        %rem3A_158 = arith.remsi %add3A_152, %select_n3A_157 : i32
        %ne3A_159 = arith.constant 0 : i32
        %ne3A_160 = arith.cmpi ne, %rem3A_158, %ne3A_159 : i32
        %lt3A_161 = arith.constant 0 : i32
        %lt3A_162 = arith.cmpi slt, %rem3A_158, %lt3A_161 : i32
        %lt3A_163 = arith.constant 0 : i32
        %lt3A_164 = arith.cmpi slt, %select_n3A_157, %lt3A_163 : i32
        %ne3A_165 = arith.xori %lt3A_162, %lt3A_164 : i1
        %and3A_166 = arith.andi %ne3A_165, %ne3A_160 : i1
        %add3A_167 = arith.addi %rem3A_158, %select_n3A_157 : i32
        %select_n3A_168 = arith.select %and3A_166, %add3A_167, %rem3A_158 : i32
        %dma_start3A_169 = arith.constant 0 : i32
        %dma_start3A_170 = arith.constant 0 : i32
        %dma_start3A_171 = tpu.memref_slice %arg6[%select_n3A_168, %dma_start3A_169, %dma_start3A_170] : memref<6x128x128xf32, #tpu.memory_space<vmem>> -> memref<1x128x128xf32, #tpu.memory_space<vmem>>
        %dma_start3A_172 = tpu.memref_squeeze %dma_start3A_171 : memref<1x128x128xf32, #tpu.memory_space<vmem>> -> memref<128x128xf32, #tpu.memory_space<vmem>>
        %dma_start3A_173 = arith.constant 0 : i32
        %dma_start3A_174 = tpu.memref_slice %arg5[%add3A_150, %dma_start3A_173] : memref<20x128xi32, #tpu.memory_space<vmem>> -> memref<1x128xi32, #tpu.memory_space<vmem>>
        %dma_start3A_175 = tpu.memref_squeeze %dma_start3A_174 : memref<1x128xi32, #tpu.memory_space<vmem>> -> memref<128xi32, #tpu.memory_space<vmem>>
        %dma_start3A_176 = arith.constant 0 : i32
        %dma_start3A_177 = arith.constant 0 : i32
        %dma_start3A_178 = tpu.memref_slice %arg2[%dma_start3A_176, %dma_start3A_177] : memref<1000x128xf32, #tpu.memory_space<hbm>> -> memref<1000x128xf32, #tpu.memory_space<hbm>>
        tpu.enqueue_indirect_dma source(%dma_start3A_178 : memref<1000x128xf32, #tpu.memory_space<hbm>>) target(%dma_start3A_172 : memref<128x128xf32, #tpu.memory_space<vmem>>) offsets(%dma_start3A_175 : memref<128xi32, #tpu.memory_space<vmem>>) semaphore(%arg7 : memref<!tpu.dma_semaphore, #tpu.memory_space<semaphore_mem>>)
      } else {
      }
      %jit3A = arith.constant 6 : i32
      %eq3A = arith.constant 0 : i32
      %eq3A_97 = arith.cmpi eq, %jit3A, %eq3A : i32
      %jit3A_98 = arith.constant 1 : i32
      %select_n3A = arith.select %eq3A_97, %jit3A_98, %jit3A : i32
      %rem3A = arith.remsi %scan3A_90, %select_n3A : i32
      %ne3A = arith.constant 0 : i32
      %ne3A_99 = arith.cmpi ne, %rem3A, %ne3A : i32
      %lt3A_100 = arith.constant 0 : i32
      %lt3A_101 = arith.cmpi slt, %rem3A, %lt3A_100 : i32
      %lt3A_102 = arith.constant 0 : i32
      %lt3A_103 = arith.cmpi slt, %select_n3A, %lt3A_102 : i32
      %ne3A_104 = arith.xori %lt3A_101, %lt3A_103 : i1
      %and3A = arith.andi %ne3A_104, %ne3A_99 : i1
      %add3A_105 = arith.addi %rem3A, %select_n3A : i32
      %select_n3A_106 = arith.select %and3A, %add3A_105, %rem3A : i32
      %dma_wait3A_107 = arith.constant 0 : i32
      %dma_wait3A_108 = arith.constant 0 : i32
      %dma_wait3A_109 = tpu.memref_slice %arg6[%select_n3A_106, %dma_wait3A_107, %dma_wait3A_108] : memref<6x128x128xf32, #tpu.memory_space<vmem>> -> memref<1x128x128xf32, #tpu.memory_space<vmem>>
      %dma_wait3A_110 = tpu.memref_squeeze %dma_wait3A_109 : memref<1x128x128xf32, #tpu.memory_space<vmem>> -> memref<128x128xf32, #tpu.memory_space<vmem>>
      %dma_wait3A_111 = arith.constant 0 : i32
      %dma_wait3A_112 = tpu.memref_slice %arg5[%scan3A_90, %dma_wait3A_111] : memref<20x128xi32, #tpu.memory_space<vmem>> -> memref<1x128xi32, #tpu.memory_space<vmem>>
      %dma_wait3A_113 = tpu.memref_squeeze %dma_wait3A_112 : memref<1x128xi32, #tpu.memory_space<vmem>> -> memref<128xi32, #tpu.memory_space<vmem>>
      %dma_wait3A_114 = arith.constant 0 : i32
      %dma_wait3A_115 = arith.constant 0 : i32
      %dma_wait3A_116 = tpu.memref_slice %arg2[%dma_wait3A_114, %dma_wait3A_115] : memref<1000x128xf32, #tpu.memory_space<hbm>> -> memref<1000x128xf32, #tpu.memory_space<hbm>>
      tpu.wait_indirect_dma semaphore(%arg7 : memref<!tpu.dma_semaphore, #tpu.memory_space<semaphore_mem>>) src(%dma_wait3A_116 : memref<1000x128xf32, #tpu.memory_space<hbm>>) dst(%dma_wait3A_110 : memref<128x128xf32, #tpu.memory_space<vmem>>)
      %jit3A_117 = arith.constant 6 : i32
      %eq3A_118 = arith.constant 0 : i32
      %eq3A_119 = arith.cmpi eq, %jit3A_117, %eq3A_118 : i32
      %jit3A_120 = arith.constant 1 : i32
      %select_n3A_121 = arith.select %eq3A_119, %jit3A_120, %jit3A_117 : i32
      %rem3A_122 = arith.remsi %scan3A_90, %select_n3A_121 : i32
      %ne3A_123 = arith.constant 0 : i32
      %ne3A_124 = arith.cmpi ne, %rem3A_122, %ne3A_123 : i32
      %lt3A_125 = arith.constant 0 : i32
      %lt3A_126 = arith.cmpi slt, %rem3A_122, %lt3A_125 : i32
      %lt3A_127 = arith.constant 0 : i32
      %lt3A_128 = arith.cmpi slt, %select_n3A_121, %lt3A_127 : i32
      %ne3A_129 = arith.xori %lt3A_126, %lt3A_128 : i1
      %and3A_130 = arith.andi %ne3A_129, %ne3A_124 : i1
      %add3A_131 = arith.addi %rem3A_122, %select_n3A_121 : i32
      %select_n3A_132 = arith.select %and3A_130, %add3A_131, %rem3A_122 : i32
      %add3A_133 = arith.constant 0 : i32
      %add3A_134 = arith.addi %add3A_133, %scan3A_90 : i32
      %dma_start3A_135 = arith.constant 0 : i32
      %dma_start3A_136 = arith.constant 0 : i32
      %dma_start3A_137 = tpu.memref_slice %arg6[%select_n3A_132, %dma_start3A_135, %dma_start3A_136] : memref<6x128x128xf32, #tpu.memory_space<vmem>> -> memref<1x128x128xf32, #tpu.memory_space<vmem>>
      %dma_start3A_138 = tpu.memref_squeeze %dma_start3A_137 : memref<1x128x128xf32, #tpu.memory_space<vmem>> -> memref<128x128xf32, #tpu.memory_space<vmem>>
      %dma_start3A_139 = arith.constant 0 : i32
      %dma_start3A_140 = tpu.memref_slice %arg4[%add3A_134, %mul3A_2, %dma_start3A_139] : memref<70x4096x128xf32, #tpu.memory_space<hbm>> -> memref<1x128x128xf32, #tpu.memory_space<hbm>>
      %dma_start3A_141 = tpu.memref_squeeze %dma_start3A_140 : memref<1x128x128xf32, #tpu.memory_space<hbm>> -> memref<128x128xf32, #tpu.memory_space<hbm>>
      %dma_start3A_142 = arith.constant 0 : i32
      %dma_start3A_143 = tpu.memref_slice %arg4[%add3A_134, %mul3A_2, %dma_start3A_142] : memref<70x4096x128xf32, #tpu.memory_space<hbm>> -> memref<1x128x128xf32, #tpu.memory_space<hbm>>
      %dma_start3A_144 = tpu.memref_squeeze %dma_start3A_143 : memref<1x128x128xf32, #tpu.memory_space<hbm>> -> memref<128x128xf32, #tpu.memory_space<hbm>>
      %dma_start3A_145 = arith.constant 0 : i32
      %dma_start3A_146 = arith.constant 0 : i32
      %dma_start3A_147 = tpu.memref_slice %arg6[%select_n3A_132, %dma_start3A_145, %dma_start3A_146] : memref<6x128x128xf32, #tpu.memory_space<vmem>> -> memref<1x128x128xf32, #tpu.memory_space<vmem>>
      %dma_start3A_148 = tpu.memref_squeeze %dma_start3A_147 : memref<1x128x128xf32, #tpu.memory_space<vmem>> -> memref<128x128xf32, #tpu.memory_space<vmem>>
      tpu.enqueue_dma source(%dma_start3A_148 : memref<128x128xf32, #tpu.memory_space<vmem>>) target(%dma_start3A_144 : memref<128x128xf32, #tpu.memory_space<hbm>>) target_semaphore(%arg8 : memref<!tpu.dma_semaphore, #tpu.memory_space<semaphore_mem>>)
    }
    %scan3A_42 = arith.constant 20 : i32
    %dma_wait3A = arith.constant 5 : i32
    %dma_wait3A_43 = arith.constant 17 : i32
    %dma_wait3A_44 = arith.constant 0 : i32
    %dma_wait3A_45 = arith.constant 0 : i32
    %dma_wait3A_46 = tpu.memref_slice %arg6[%dma_wait3A, %dma_wait3A_44, %dma_wait3A_45] : memref<6x128x128xf32, #tpu.memory_space<vmem>> -> memref<1x128x128xf32, #tpu.memory_space<vmem>>
    %dma_wait3A_47 = tpu.memref_squeeze %dma_wait3A_46 : memref<1x128x128xf32, #tpu.memory_space<vmem>> -> memref<128x128xf32, #tpu.memory_space<vmem>>
    %dma_wait3A_48 = arith.constant 0 : i32
    %dma_wait3A_49 = tpu.memref_slice %arg4[%dma_wait3A_43, %mul3A_2, %dma_wait3A_48] : memref<70x4096x128xf32, #tpu.memory_space<hbm>> -> memref<1x128x128xf32, #tpu.memory_space<hbm>>
    %dma_wait3A_50 = tpu.memref_squeeze %dma_wait3A_49 : memref<1x128x128xf32, #tpu.memory_space<hbm>> -> memref<128x128xf32, #tpu.memory_space<hbm>>
    %dma_wait3A_51 = arith.constant 0 : i32
    %dma_wait3A_52 = tpu.memref_slice %arg4[%dma_wait3A_43, %mul3A_2, %dma_wait3A_51] : memref<70x4096x128xf32, #tpu.memory_space<hbm>> -> memref<1x128x128xf32, #tpu.memory_space<hbm>>
    %dma_wait3A_53 = tpu.memref_squeeze %dma_wait3A_52 : memref<1x128x128xf32, #tpu.memory_space<hbm>> -> memref<128x128xf32, #tpu.memory_space<hbm>>
    %dma_wait3A_54 = arith.constant 0 : i32
    %dma_wait3A_55 = arith.constant 0 : i32
    %dma_wait3A_56 = tpu.memref_slice %arg6[%dma_wait3A, %dma_wait3A_54, %dma_wait3A_55] : memref<6x128x128xf32, #tpu.memory_space<vmem>> -> memref<1x128x128xf32, #tpu.memory_space<vmem>>
    %dma_wait3A_57 = tpu.memref_squeeze %dma_wait3A_56 : memref<1x128x128xf32, #tpu.memory_space<vmem>> -> memref<128x128xf32, #tpu.memory_space<vmem>>
    tpu.wait_dma2 semaphore(%arg8 : memref<!tpu.dma_semaphore, #tpu.memory_space<semaphore_mem>>) src(%dma_wait3A_57 : memref<128x128xf32, #tpu.memory_space<vmem>>) dst(%dma_wait3A_53 : memref<128x128xf32, #tpu.memory_space<hbm>>)
    %dma_wait3A_58 = arith.constant 0 : i32
    %dma_wait3A_59 = arith.constant 18 : i32
    %dma_wait3A_60 = arith.constant 0 : i32
    %dma_wait3A_61 = arith.constant 0 : i32
    %dma_wait3A_62 = tpu.memref_slice %arg6[%dma_wait3A_58, %dma_wait3A_60, %dma_wait3A_61] : memref<6x128x128xf32, #tpu.memory_space<vmem>> -> memref<1x128x128xf32, #tpu.memory_space<vmem>>
    %dma_wait3A_63 = tpu.memref_squeeze %dma_wait3A_62 : memref<1x128x128xf32, #tpu.memory_space<vmem>> -> memref<128x128xf32, #tpu.memory_space<vmem>>
    %dma_wait3A_64 = arith.constant 0 : i32
    %dma_wait3A_65 = tpu.memref_slice %arg4[%dma_wait3A_59, %mul3A_2, %dma_wait3A_64] : memref<70x4096x128xf32, #tpu.memory_space<hbm>> -> memref<1x128x128xf32, #tpu.memory_space<hbm>>
    %dma_wait3A_66 = tpu.memref_squeeze %dma_wait3A_65 : memref<1x128x128xf32, #tpu.memory_space<hbm>> -> memref<128x128xf32, #tpu.memory_space<hbm>>
    %dma_wait3A_67 = arith.constant 0 : i32
    %dma_wait3A_68 = tpu.memref_slice %arg4[%dma_wait3A_59, %mul3A_2, %dma_wait3A_67] : memref<70x4096x128xf32, #tpu.memory_space<hbm>> -> memref<1x128x128xf32, #tpu.memory_space<hbm>>
    %dma_wait3A_69 = tpu.memref_squeeze %dma_wait3A_68 : memref<1x128x128xf32, #tpu.memory_space<hbm>> -> memref<128x128xf32, #tpu.memory_space<hbm>>
    %dma_wait3A_70 = arith.constant 0 : i32
    %dma_wait3A_71 = arith.constant 0 : i32
    %dma_wait3A_72 = tpu.memref_slice %arg6[%dma_wait3A_58, %dma_wait3A_70, %dma_wait3A_71] : memref<6x128x128xf32, #tpu.memory_space<vmem>> -> memref<1x128x128xf32, #tpu.memory_space<vmem>>
    %dma_wait3A_73 = tpu.memref_squeeze %dma_wait3A_72 : memref<1x128x128xf32, #tpu.memory_space<vmem>> -> memref<128x128xf32, #tpu.memory_space<vmem>>
    tpu.wait_dma2 semaphore(%arg8 : memref<!tpu.dma_semaphore, #tpu.memory_space<semaphore_mem>>) src(%dma_wait3A_73 : memref<128x128xf32, #tpu.memory_space<vmem>>) dst(%dma_wait3A_69 : memref<128x128xf32, #tpu.memory_space<hbm>>)
    %dma_wait3A_74 = arith.constant 1 : i32
    %dma_wait3A_75 = arith.constant 19 : i32
    %dma_wait3A_76 = arith.constant 0 : i32
    %dma_wait3A_77 = arith.constant 0 : i32
    %dma_wait3A_78 = tpu.memref_slice %arg6[%dma_wait3A_74, %dma_wait3A_76, %dma_wait3A_77] : memref<6x128x128xf32, #tpu.memory_space<vmem>> -> memref<1x128x128xf32, #tpu.memory_space<vmem>>
    %dma_wait3A_79 = tpu.memref_squeeze %dma_wait3A_78 : memref<1x128x128xf32, #tpu.memory_space<vmem>> -> memref<128x128xf32, #tpu.memory_space<vmem>>
    %dma_wait3A_80 = arith.constant 0 : i32
    %dma_wait3A_81 = tpu.memref_slice %arg4[%dma_wait3A_75, %mul3A_2, %dma_wait3A_80] : memref<70x4096x128xf32, #tpu.memory_space<hbm>> -> memref<1x128x128xf32, #tpu.memory_space<hbm>>
    %dma_wait3A_82 = tpu.memref_squeeze %dma_wait3A_81 : memref<1x128x128xf32, #tpu.memory_space<hbm>> -> memref<128x128xf32, #tpu.memory_space<hbm>>
    %dma_wait3A_83 = arith.constant 0 : i32
    %dma_wait3A_84 = tpu.memref_slice %arg4[%dma_wait3A_75, %mul3A_2, %dma_wait3A_83] : memref<70x4096x128xf32, #tpu.memory_space<hbm>> -> memref<1x128x128xf32, #tpu.memory_space<hbm>>
    %dma_wait3A_85 = tpu.memref_squeeze %dma_wait3A_84 : memref<1x128x128xf32, #tpu.memory_space<hbm>> -> memref<128x128xf32, #tpu.memory_space<hbm>>
    %dma_wait3A_86 = arith.constant 0 : i32
    %dma_wait3A_87 = arith.constant 0 : i32
    %dma_wait3A_88 = tpu.memref_slice %arg6[%dma_wait3A_74, %dma_wait3A_86, %dma_wait3A_87] : memref<6x128x128xf32, #tpu.memory_space<vmem>> -> memref<1x128x128xf32, #tpu.memory_space<vmem>>
    %dma_wait3A_89 = tpu.memref_squeeze %dma_wait3A_88 : memref<1x128x128xf32, #tpu.memory_space<vmem>> -> memref<128x128xf32, #tpu.memory_space<vmem>>
    tpu.wait_dma2 semaphore(%arg8 : memref<!tpu.dma_semaphore, #tpu.memory_space<semaphore_mem>>) src(%dma_wait3A_89 : memref<128x128xf32, #tpu.memory_space<vmem>>) dst(%dma_wait3A_85 : memref<128x128xf32, #tpu.memory_space<hbm>>)
    return
  }
}

#map = affine_map<(d0, d1) -> (0, 0)>
#map1 = affine_map<(d0, d1) -> (0, 0, 0)>
module attributes {stable_mosaic.version = 14 : i64} {
  func.func @k(%arg0: i32, %arg1: i32, %arg2: memref<100000x128xf32, #tpu.memory_space<hbm>>, %arg3: memref<32x50x128xi32, #tpu.memory_space<hbm>>, %arg4: memref<70x4096x128xf32, #tpu.memory_space<hbm>>, %arg5: memref<70x4096x128xf32, #tpu.memory_space<hbm>>, %arg6: memref<50x128xi32, #tpu.memory_space<vmem>>, %arg7: memref<6x128x128xf32, #tpu.memory_space<vmem>>, %arg8: memref<!tpu.dma_semaphore, #tpu.memory_space<semaphore_mem>>, %arg9: memref<!tpu.dma_semaphore, #tpu.memory_space<semaphore_mem>>) attributes {dimension_semantics = [#tpu.dimension_semantics<core_parallel>, #tpu.dimension_semantics<subcore_parallel>], iteration_bounds = array<i64: 2, 16>, scalar_prefetch = 0 : i64, scratch_operands = 4 : i64, tpu.core_type = #tpu.core_type<sc_vector_subcore>, window_params = [{transform_indices = #map}, {transform_indices = #map1}, {transform_indices = #map1}, {transform_indices = #map1}]} {
    %mul3A = arith.constant 2 : i32
    %mul3A_0 = arith.muli %arg1, %mul3A : i32
    %add3A = arith.addi %mul3A_0, %arg0 : i32
    %mul3A_1 = arith.constant 128 : i32
    %mul3A_2 = arith.muli %add3A, %mul3A_1 : i32
    "tpu.region"() ({
      %run_scoped3A = tpu.sem_alloc : memref<!tpu.dma_semaphore, #tpu.memory_space<semaphore_mem>>
      %dma_start3A_90 = arith.constant 0 : i32
      %dma_start3A_91 = arith.constant 0 : i32
      %dma_start3A_92 = tpu.memref_slice %arg3[%add3A, %dma_start3A_90, %dma_start3A_91] : memref<32x50x128xi32, #tpu.memory_space<hbm>> -> memref<1x50x128xi32, #tpu.memory_space<hbm>>
      %dma_start3A_93 = tpu.memref_squeeze %dma_start3A_92 : memref<1x50x128xi32, #tpu.memory_space<hbm>> -> memref<50x128xi32, #tpu.memory_space<hbm>>
      %dma_start3A_94 = arith.constant 0 : i32
      %dma_start3A_95 = arith.constant 0 : i32
      %dma_start3A_96 = tpu.memref_slice %arg3[%add3A, %dma_start3A_94, %dma_start3A_95] : memref<32x50x128xi32, #tpu.memory_space<hbm>> -> memref<1x50x128xi32, #tpu.memory_space<hbm>>
      %dma_start3A_97 = tpu.memref_squeeze %dma_start3A_96 : memref<1x50x128xi32, #tpu.memory_space<hbm>> -> memref<50x128xi32, #tpu.memory_space<hbm>>
      tpu.enqueue_dma source(%dma_start3A_97 : memref<50x128xi32, #tpu.memory_space<hbm>>) target(%arg6 : memref<50x128xi32, #tpu.memory_space<vmem>>) target_semaphore(%run_scoped3A : memref<!tpu.dma_semaphore, #tpu.memory_space<semaphore_mem>>)
      %dma_wait3A_98 = arith.constant 0 : i32
      %dma_wait3A_99 = arith.constant 0 : i32
      %dma_wait3A_100 = tpu.memref_slice %arg3[%add3A, %dma_wait3A_98, %dma_wait3A_99] : memref<32x50x128xi32, #tpu.memory_space<hbm>> -> memref<1x50x128xi32, #tpu.memory_space<hbm>>
      %dma_wait3A_101 = tpu.memref_squeeze %dma_wait3A_100 : memref<1x50x128xi32, #tpu.memory_space<hbm>> -> memref<50x128xi32, #tpu.memory_space<hbm>>
      %dma_wait3A_102 = arith.constant 0 : i32
      %dma_wait3A_103 = arith.constant 0 : i32
      %dma_wait3A_104 = tpu.memref_slice %arg3[%add3A, %dma_wait3A_102, %dma_wait3A_103] : memref<32x50x128xi32, #tpu.memory_space<hbm>> -> memref<1x50x128xi32, #tpu.memory_space<hbm>>
      %dma_wait3A_105 = tpu.memref_squeeze %dma_wait3A_104 : memref<1x50x128xi32, #tpu.memory_space<hbm>> -> memref<50x128xi32, #tpu.memory_space<hbm>>
      tpu.wait_dma2 semaphore(%run_scoped3A : memref<!tpu.dma_semaphore, #tpu.memory_space<semaphore_mem>>) src(%dma_wait3A_105 : memref<50x128xi32, #tpu.memory_space<hbm>>) dst(%arg6 : memref<50x128xi32, #tpu.memory_space<vmem>>)
      tpu.yield
    }) : () -> ()
    %dma_start3A = arith.constant 0 : i32
    %dma_start3A_3 = arith.constant 0 : i32
    %dma_start3A_4 = arith.constant 0 : i32
    %dma_start3A_5 = arith.constant 0 : i32
    %dma_start3A_6 = tpu.memref_slice %arg7[%dma_start3A_3, %dma_start3A_4, %dma_start3A_5] : memref<6x128x128xf32, #tpu.memory_space<vmem>> -> memref<1x128x128xf32, #tpu.memory_space<vmem>>
    %dma_start3A_7 = tpu.memref_squeeze %dma_start3A_6 : memref<1x128x128xf32, #tpu.memory_space<vmem>> -> memref<128x128xf32, #tpu.memory_space<vmem>>
    %dma_start3A_8 = arith.constant 0 : i32
    %dma_start3A_9 = tpu.memref_slice %arg6[%dma_start3A, %dma_start3A_8] : memref<50x128xi32, #tpu.memory_space<vmem>> -> memref<1x128xi32, #tpu.memory_space<vmem>>
    %dma_start3A_10 = tpu.memref_squeeze %dma_start3A_9 : memref<1x128xi32, #tpu.memory_space<vmem>> -> memref<128xi32, #tpu.memory_space<vmem>>
    %dma_start3A_11 = arith.constant 0 : i32
    %dma_start3A_12 = arith.constant 0 : i32
    %dma_start3A_13 = tpu.memref_slice %arg2[%dma_start3A_11, %dma_start3A_12] : memref<100000x128xf32, #tpu.memory_space<hbm>> -> memref<100000x128xf32, #tpu.memory_space<hbm>>
    tpu.enqueue_indirect_dma source(%dma_start3A_13 : memref<100000x128xf32, #tpu.memory_space<hbm>>) target(%dma_start3A_7 : memref<128x128xf32, #tpu.memory_space<vmem>>) offsets(%dma_start3A_10 : memref<128xi32, #tpu.memory_space<vmem>>) semaphore(%arg8 : memref<!tpu.dma_semaphore, #tpu.memory_space<semaphore_mem>>)
    %dma_start3A_14 = arith.constant 1 : i32
    %dma_start3A_15 = arith.constant 1 : i32
    %dma_start3A_16 = arith.constant 0 : i32
    %dma_start3A_17 = arith.constant 0 : i32
    %dma_start3A_18 = tpu.memref_slice %arg7[%dma_start3A_15, %dma_start3A_16, %dma_start3A_17] : memref<6x128x128xf32, #tpu.memory_space<vmem>> -> memref<1x128x128xf32, #tpu.memory_space<vmem>>
    %dma_start3A_19 = tpu.memref_squeeze %dma_start3A_18 : memref<1x128x128xf32, #tpu.memory_space<vmem>> -> memref<128x128xf32, #tpu.memory_space<vmem>>
    %dma_start3A_20 = arith.constant 0 : i32
    %dma_start3A_21 = tpu.memref_slice %arg6[%dma_start3A_14, %dma_start3A_20] : memref<50x128xi32, #tpu.memory_space<vmem>> -> memref<1x128xi32, #tpu.memory_space<vmem>>
    %dma_start3A_22 = tpu.memref_squeeze %dma_start3A_21 : memref<1x128xi32, #tpu.memory_space<vmem>> -> memref<128xi32, #tpu.memory_space<vmem>>
    %dma_start3A_23 = arith.constant 0 : i32
    %dma_start3A_24 = arith.constant 0 : i32
    %dma_start3A_25 = tpu.memref_slice %arg2[%dma_start3A_23, %dma_start3A_24] : memref<100000x128xf32, #tpu.memory_space<hbm>> -> memref<100000x128xf32, #tpu.memory_space<hbm>>
    tpu.enqueue_indirect_dma source(%dma_start3A_25 : memref<100000x128xf32, #tpu.memory_space<hbm>>) target(%dma_start3A_19 : memref<128x128xf32, #tpu.memory_space<vmem>>) offsets(%dma_start3A_22 : memref<128xi32, #tpu.memory_space<vmem>>) semaphore(%arg8 : memref<!tpu.dma_semaphore, #tpu.memory_space<semaphore_mem>>)
    %dma_start3A_26 = arith.constant 2 : i32
    %dma_start3A_27 = arith.constant 2 : i32
    %dma_start3A_28 = arith.constant 0 : i32
    %dma_start3A_29 = arith.constant 0 : i32
    %dma_start3A_30 = tpu.memref_slice %arg7[%dma_start3A_27, %dma_start3A_28, %dma_start3A_29] : memref<6x128x128xf32, #tpu.memory_space<vmem>> -> memref<1x128x128xf32, #tpu.memory_space<vmem>>
    %dma_start3A_31 = tpu.memref_squeeze %dma_start3A_30 : memref<1x128x128xf32, #tpu.memory_space<vmem>> -> memref<128x128xf32, #tpu.memory_space<vmem>>
    %dma_start3A_32 = arith.constant 0 : i32
    %dma_start3A_33 = tpu.memref_slice %arg6[%dma_start3A_26, %dma_start3A_32] : memref<50x128xi32, #tpu.memory_space<vmem>> -> memref<1x128xi32, #tpu.memory_space<vmem>>
    %dma_start3A_34 = tpu.memref_squeeze %dma_start3A_33 : memref<1x128xi32, #tpu.memory_space<vmem>> -> memref<128xi32, #tpu.memory_space<vmem>>
    %dma_start3A_35 = arith.constant 0 : i32
    %dma_start3A_36 = arith.constant 0 : i32
    %dma_start3A_37 = tpu.memref_slice %arg2[%dma_start3A_35, %dma_start3A_36] : memref<100000x128xf32, #tpu.memory_space<hbm>> -> memref<100000x128xf32, #tpu.memory_space<hbm>>
    tpu.enqueue_indirect_dma source(%dma_start3A_37 : memref<100000x128xf32, #tpu.memory_space<hbm>>) target(%dma_start3A_31 : memref<128x128xf32, #tpu.memory_space<vmem>>) offsets(%dma_start3A_34 : memref<128xi32, #tpu.memory_space<vmem>>) semaphore(%arg8 : memref<!tpu.dma_semaphore, #tpu.memory_space<semaphore_mem>>)
    %scan3A = arith.constant 0 : i32
    %scan3A_38 = arith.constant 0 : i32
    %scan3A_39 = arith.constant 50 : i32
    %scan3A_40 = arith.addi %scan3A_38, %scan3A_39 : i32
    %scan3A_41 = arith.constant 1 : i32
    scf.for %scan3A_90 = %scan3A_38 to %scan3A_40 step %scan3A_41  : i32 {
      %ge3A = arith.constant 3 : i32
      %ge3A_91 = arith.cmpi sge, %scan3A_90, %ge3A : i32
      %convert_element_type3A = arith.extui %ge3A_91 : i1 to i32
      %cond3A = arith.constant 0 : i32
      %cond3A_92 = arith.cmpi ne, %convert_element_type3A, %cond3A : i32
      scf.if %cond3A_92 {
        %sub3A = arith.constant 3 : i32
        %sub3A_149 = arith.subi %scan3A_90, %sub3A : i32
        %jit3A_150 = arith.constant 6 : i32
        %eq3A_151 = arith.constant 0 : i32
        %eq3A_152 = arith.cmpi eq, %jit3A_150, %eq3A_151 : i32
        %jit3A_153 = arith.constant 1 : i32
        %select_n3A_154 = arith.select %eq3A_152, %jit3A_153, %jit3A_150 : i32
        %rem3A_155 = arith.remsi %sub3A_149, %select_n3A_154 : i32
        %ne3A_156 = arith.constant 0 : i32
        %ne3A_157 = arith.cmpi ne, %rem3A_155, %ne3A_156 : i32
        %lt3A_158 = arith.constant 0 : i32
        %lt3A_159 = arith.cmpi slt, %rem3A_155, %lt3A_158 : i32
        %lt3A_160 = arith.constant 0 : i32
        %lt3A_161 = arith.cmpi slt, %select_n3A_154, %lt3A_160 : i32
        %ne3A_162 = arith.xori %lt3A_159, %lt3A_161 : i1
        %and3A_163 = arith.andi %ne3A_162, %ne3A_157 : i1
        %add3A_164 = arith.addi %rem3A_155, %select_n3A_154 : i32
        %select_n3A_165 = arith.select %and3A_163, %add3A_164, %rem3A_155 : i32
        %add3A_166 = arith.constant 20 : i32
        %add3A_167 = arith.addi %add3A_166, %scan3A_90 : i32
        %sub3A_168 = arith.constant 3 : i32
        %sub3A_169 = arith.subi %add3A_167, %sub3A_168 : i32
        %dma_wait3A_170 = arith.constant 0 : i32
        %dma_wait3A_171 = arith.constant 0 : i32
        %dma_wait3A_172 = tpu.memref_slice %arg7[%select_n3A_165, %dma_wait3A_170, %dma_wait3A_171] : memref<6x128x128xf32, #tpu.memory_space<vmem>> -> memref<1x128x128xf32, #tpu.memory_space<vmem>>
        %dma_wait3A_173 = tpu.memref_squeeze %dma_wait3A_172 : memref<1x128x128xf32, #tpu.memory_space<vmem>> -> memref<128x128xf32, #tpu.memory_space<vmem>>
        %dma_wait3A_174 = arith.constant 0 : i32
        %dma_wait3A_175 = tpu.memref_slice %arg5[%sub3A_169, %mul3A_2, %dma_wait3A_174] : memref<70x4096x128xf32, #tpu.memory_space<hbm>> -> memref<1x128x128xf32, #tpu.memory_space<hbm>>
        %dma_wait3A_176 = tpu.memref_squeeze %dma_wait3A_175 : memref<1x128x128xf32, #tpu.memory_space<hbm>> -> memref<128x128xf32, #tpu.memory_space<hbm>>
        %dma_wait3A_177 = arith.constant 0 : i32
        %dma_wait3A_178 = tpu.memref_slice %arg5[%sub3A_169, %mul3A_2, %dma_wait3A_177] : memref<70x4096x128xf32, #tpu.memory_space<hbm>> -> memref<1x128x128xf32, #tpu.memory_space<hbm>>
        %dma_wait3A_179 = tpu.memref_squeeze %dma_wait3A_178 : memref<1x128x128xf32, #tpu.memory_space<hbm>> -> memref<128x128xf32, #tpu.memory_space<hbm>>
        %dma_wait3A_180 = arith.constant 0 : i32
        %dma_wait3A_181 = arith.constant 0 : i32
        %dma_wait3A_182 = tpu.memref_slice %arg7[%select_n3A_165, %dma_wait3A_180, %dma_wait3A_181] : memref<6x128x128xf32, #tpu.memory_space<vmem>> -> memref<1x128x128xf32, #tpu.memory_space<vmem>>
        %dma_wait3A_183 = tpu.memref_squeeze %dma_wait3A_182 : memref<1x128x128xf32, #tpu.memory_space<vmem>> -> memref<128x128xf32, #tpu.memory_space<vmem>>
        tpu.wait_dma2 semaphore(%arg9 : memref<!tpu.dma_semaphore, #tpu.memory_space<semaphore_mem>>) src(%dma_wait3A_183 : memref<128x128xf32, #tpu.memory_space<vmem>>) dst(%dma_wait3A_179 : memref<128x128xf32, #tpu.memory_space<hbm>>)
      } else {
      }
      %lt3A = arith.constant 47 : i32
      %lt3A_93 = arith.cmpi slt, %scan3A_90, %lt3A : i32
      %convert_element_type3A_94 = arith.extui %lt3A_93 : i1 to i32
      %cond3A_95 = arith.constant 0 : i32
      %cond3A_96 = arith.cmpi ne, %convert_element_type3A_94, %cond3A_95 : i32
      scf.if %cond3A_96 {
        %add3A_149 = arith.constant 3 : i32
        %add3A_150 = arith.addi %scan3A_90, %add3A_149 : i32
        %add3A_151 = arith.constant 3 : i32
        %add3A_152 = arith.addi %scan3A_90, %add3A_151 : i32
        %jit3A_153 = arith.constant 6 : i32
        %eq3A_154 = arith.constant 0 : i32
        %eq3A_155 = arith.cmpi eq, %jit3A_153, %eq3A_154 : i32
        %jit3A_156 = arith.constant 1 : i32
        %select_n3A_157 = arith.select %eq3A_155, %jit3A_156, %jit3A_153 : i32
        %rem3A_158 = arith.remsi %add3A_152, %select_n3A_157 : i32
        %ne3A_159 = arith.constant 0 : i32
        %ne3A_160 = arith.cmpi ne, %rem3A_158, %ne3A_159 : i32
        %lt3A_161 = arith.constant 0 : i32
        %lt3A_162 = arith.cmpi slt, %rem3A_158, %lt3A_161 : i32
        %lt3A_163 = arith.constant 0 : i32
        %lt3A_164 = arith.cmpi slt, %select_n3A_157, %lt3A_163 : i32
        %ne3A_165 = arith.xori %lt3A_162, %lt3A_164 : i1
        %and3A_166 = arith.andi %ne3A_165, %ne3A_160 : i1
        %add3A_167 = arith.addi %rem3A_158, %select_n3A_157 : i32
        %select_n3A_168 = arith.select %and3A_166, %add3A_167, %rem3A_158 : i32
        %dma_start3A_169 = arith.constant 0 : i32
        %dma_start3A_170 = arith.constant 0 : i32
        %dma_start3A_171 = tpu.memref_slice %arg7[%select_n3A_168, %dma_start3A_169, %dma_start3A_170] : memref<6x128x128xf32, #tpu.memory_space<vmem>> -> memref<1x128x128xf32, #tpu.memory_space<vmem>>
        %dma_start3A_172 = tpu.memref_squeeze %dma_start3A_171 : memref<1x128x128xf32, #tpu.memory_space<vmem>> -> memref<128x128xf32, #tpu.memory_space<vmem>>
        %dma_start3A_173 = arith.constant 0 : i32
        %dma_start3A_174 = tpu.memref_slice %arg6[%add3A_150, %dma_start3A_173] : memref<50x128xi32, #tpu.memory_space<vmem>> -> memref<1x128xi32, #tpu.memory_space<vmem>>
        %dma_start3A_175 = tpu.memref_squeeze %dma_start3A_174 : memref<1x128xi32, #tpu.memory_space<vmem>> -> memref<128xi32, #tpu.memory_space<vmem>>
        %dma_start3A_176 = arith.constant 0 : i32
        %dma_start3A_177 = arith.constant 0 : i32
        %dma_start3A_178 = tpu.memref_slice %arg2[%dma_start3A_176, %dma_start3A_177] : memref<100000x128xf32, #tpu.memory_space<hbm>> -> memref<100000x128xf32, #tpu.memory_space<hbm>>
        tpu.enqueue_indirect_dma source(%dma_start3A_178 : memref<100000x128xf32, #tpu.memory_space<hbm>>) target(%dma_start3A_172 : memref<128x128xf32, #tpu.memory_space<vmem>>) offsets(%dma_start3A_175 : memref<128xi32, #tpu.memory_space<vmem>>) semaphore(%arg8 : memref<!tpu.dma_semaphore, #tpu.memory_space<semaphore_mem>>)
      } else {
      }
      %jit3A = arith.constant 6 : i32
      %eq3A = arith.constant 0 : i32
      %eq3A_97 = arith.cmpi eq, %jit3A, %eq3A : i32
      %jit3A_98 = arith.constant 1 : i32
      %select_n3A = arith.select %eq3A_97, %jit3A_98, %jit3A : i32
      %rem3A = arith.remsi %scan3A_90, %select_n3A : i32
      %ne3A = arith.constant 0 : i32
      %ne3A_99 = arith.cmpi ne, %rem3A, %ne3A : i32
      %lt3A_100 = arith.constant 0 : i32
      %lt3A_101 = arith.cmpi slt, %rem3A, %lt3A_100 : i32
      %lt3A_102 = arith.constant 0 : i32
      %lt3A_103 = arith.cmpi slt, %select_n3A, %lt3A_102 : i32
      %ne3A_104 = arith.xori %lt3A_101, %lt3A_103 : i1
      %and3A = arith.andi %ne3A_104, %ne3A_99 : i1
      %add3A_105 = arith.addi %rem3A, %select_n3A : i32
      %select_n3A_106 = arith.select %and3A, %add3A_105, %rem3A : i32
      %dma_wait3A_107 = arith.constant 0 : i32
      %dma_wait3A_108 = arith.constant 0 : i32
      %dma_wait3A_109 = tpu.memref_slice %arg7[%select_n3A_106, %dma_wait3A_107, %dma_wait3A_108] : memref<6x128x128xf32, #tpu.memory_space<vmem>> -> memref<1x128x128xf32, #tpu.memory_space<vmem>>
      %dma_wait3A_110 = tpu.memref_squeeze %dma_wait3A_109 : memref<1x128x128xf32, #tpu.memory_space<vmem>> -> memref<128x128xf32, #tpu.memory_space<vmem>>
      %dma_wait3A_111 = arith.constant 0 : i32
      %dma_wait3A_112 = tpu.memref_slice %arg6[%scan3A_90, %dma_wait3A_111] : memref<50x128xi32, #tpu.memory_space<vmem>> -> memref<1x128xi32, #tpu.memory_space<vmem>>
      %dma_wait3A_113 = tpu.memref_squeeze %dma_wait3A_112 : memref<1x128xi32, #tpu.memory_space<vmem>> -> memref<128xi32, #tpu.memory_space<vmem>>
      %dma_wait3A_114 = arith.constant 0 : i32
      %dma_wait3A_115 = arith.constant 0 : i32
      %dma_wait3A_116 = tpu.memref_slice %arg2[%dma_wait3A_114, %dma_wait3A_115] : memref<100000x128xf32, #tpu.memory_space<hbm>> -> memref<100000x128xf32, #tpu.memory_space<hbm>>
      tpu.wait_indirect_dma semaphore(%arg8 : memref<!tpu.dma_semaphore, #tpu.memory_space<semaphore_mem>>) src(%dma_wait3A_116 : memref<100000x128xf32, #tpu.memory_space<hbm>>) dst(%dma_wait3A_110 : memref<128x128xf32, #tpu.memory_space<vmem>>)
      %jit3A_117 = arith.constant 6 : i32
      %eq3A_118 = arith.constant 0 : i32
      %eq3A_119 = arith.cmpi eq, %jit3A_117, %eq3A_118 : i32
      %jit3A_120 = arith.constant 1 : i32
      %select_n3A_121 = arith.select %eq3A_119, %jit3A_120, %jit3A_117 : i32
      %rem3A_122 = arith.remsi %scan3A_90, %select_n3A_121 : i32
      %ne3A_123 = arith.constant 0 : i32
      %ne3A_124 = arith.cmpi ne, %rem3A_122, %ne3A_123 : i32
      %lt3A_125 = arith.constant 0 : i32
      %lt3A_126 = arith.cmpi slt, %rem3A_122, %lt3A_125 : i32
      %lt3A_127 = arith.constant 0 : i32
      %lt3A_128 = arith.cmpi slt, %select_n3A_121, %lt3A_127 : i32
      %ne3A_129 = arith.xori %lt3A_126, %lt3A_128 : i1
      %and3A_130 = arith.andi %ne3A_129, %ne3A_124 : i1
      %add3A_131 = arith.addi %rem3A_122, %select_n3A_121 : i32
      %select_n3A_132 = arith.select %and3A_130, %add3A_131, %rem3A_122 : i32
      %add3A_133 = arith.constant 20 : i32
      %add3A_134 = arith.addi %add3A_133, %scan3A_90 : i32
      %dma_start3A_135 = arith.constant 0 : i32
      %dma_start3A_136 = arith.constant 0 : i32
      %dma_start3A_137 = tpu.memref_slice %arg7[%select_n3A_132, %dma_start3A_135, %dma_start3A_136] : memref<6x128x128xf32, #tpu.memory_space<vmem>> -> memref<1x128x128xf32, #tpu.memory_space<vmem>>
      %dma_start3A_138 = tpu.memref_squeeze %dma_start3A_137 : memref<1x128x128xf32, #tpu.memory_space<vmem>> -> memref<128x128xf32, #tpu.memory_space<vmem>>
      %dma_start3A_139 = arith.constant 0 : i32
      %dma_start3A_140 = tpu.memref_slice %arg5[%add3A_134, %mul3A_2, %dma_start3A_139] : memref<70x4096x128xf32, #tpu.memory_space<hbm>> -> memref<1x128x128xf32, #tpu.memory_space<hbm>>
      %dma_start3A_141 = tpu.memref_squeeze %dma_start3A_140 : memref<1x128x128xf32, #tpu.memory_space<hbm>> -> memref<128x128xf32, #tpu.memory_space<hbm>>
      %dma_start3A_142 = arith.constant 0 : i32
      %dma_start3A_143 = tpu.memref_slice %arg5[%add3A_134, %mul3A_2, %dma_start3A_142] : memref<70x4096x128xf32, #tpu.memory_space<hbm>> -> memref<1x128x128xf32, #tpu.memory_space<hbm>>
      %dma_start3A_144 = tpu.memref_squeeze %dma_start3A_143 : memref<1x128x128xf32, #tpu.memory_space<hbm>> -> memref<128x128xf32, #tpu.memory_space<hbm>>
      %dma_start3A_145 = arith.constant 0 : i32
      %dma_start3A_146 = arith.constant 0 : i32
      %dma_start3A_147 = tpu.memref_slice %arg7[%select_n3A_132, %dma_start3A_145, %dma_start3A_146] : memref<6x128x128xf32, #tpu.memory_space<vmem>> -> memref<1x128x128xf32, #tpu.memory_space<vmem>>
      %dma_start3A_148 = tpu.memref_squeeze %dma_start3A_147 : memref<1x128x128xf32, #tpu.memory_space<vmem>> -> memref<128x128xf32, #tpu.memory_space<vmem>>
      tpu.enqueue_dma source(%dma_start3A_148 : memref<128x128xf32, #tpu.memory_space<vmem>>) target(%dma_start3A_144 : memref<128x128xf32, #tpu.memory_space<hbm>>) target_semaphore(%arg9 : memref<!tpu.dma_semaphore, #tpu.memory_space<semaphore_mem>>)
    }
    %scan3A_42 = arith.constant 50 : i32
    %dma_wait3A = arith.constant 5 : i32
    %dma_wait3A_43 = arith.constant 67 : i32
    %dma_wait3A_44 = arith.constant 0 : i32
    %dma_wait3A_45 = arith.constant 0 : i32
    %dma_wait3A_46 = tpu.memref_slice %arg7[%dma_wait3A, %dma_wait3A_44, %dma_wait3A_45] : memref<6x128x128xf32, #tpu.memory_space<vmem>> -> memref<1x128x128xf32, #tpu.memory_space<vmem>>
    %dma_wait3A_47 = tpu.memref_squeeze %dma_wait3A_46 : memref<1x128x128xf32, #tpu.memory_space<vmem>> -> memref<128x128xf32, #tpu.memory_space<vmem>>
    %dma_wait3A_48 = arith.constant 0 : i32
    %dma_wait3A_49 = tpu.memref_slice %arg5[%dma_wait3A_43, %mul3A_2, %dma_wait3A_48] : memref<70x4096x128xf32, #tpu.memory_space<hbm>> -> memref<1x128x128xf32, #tpu.memory_space<hbm>>
    %dma_wait3A_50 = tpu.memref_squeeze %dma_wait3A_49 : memref<1x128x128xf32, #tpu.memory_space<hbm>> -> memref<128x128xf32, #tpu.memory_space<hbm>>
    %dma_wait3A_51 = arith.constant 0 : i32
    %dma_wait3A_52 = tpu.memref_slice %arg5[%dma_wait3A_43, %mul3A_2, %dma_wait3A_51] : memref<70x4096x128xf32, #tpu.memory_space<hbm>> -> memref<1x128x128xf32, #tpu.memory_space<hbm>>
    %dma_wait3A_53 = tpu.memref_squeeze %dma_wait3A_52 : memref<1x128x128xf32, #tpu.memory_space<hbm>> -> memref<128x128xf32, #tpu.memory_space<hbm>>
    %dma_wait3A_54 = arith.constant 0 : i32
    %dma_wait3A_55 = arith.constant 0 : i32
    %dma_wait3A_56 = tpu.memref_slice %arg7[%dma_wait3A, %dma_wait3A_54, %dma_wait3A_55] : memref<6x128x128xf32, #tpu.memory_space<vmem>> -> memref<1x128x128xf32, #tpu.memory_space<vmem>>
    %dma_wait3A_57 = tpu.memref_squeeze %dma_wait3A_56 : memref<1x128x128xf32, #tpu.memory_space<vmem>> -> memref<128x128xf32, #tpu.memory_space<vmem>>
    tpu.wait_dma2 semaphore(%arg9 : memref<!tpu.dma_semaphore, #tpu.memory_space<semaphore_mem>>) src(%dma_wait3A_57 : memref<128x128xf32, #tpu.memory_space<vmem>>) dst(%dma_wait3A_53 : memref<128x128xf32, #tpu.memory_space<hbm>>)
    %dma_wait3A_58 = arith.constant 0 : i32
    %dma_wait3A_59 = arith.constant 68 : i32
    %dma_wait3A_60 = arith.constant 0 : i32
    %dma_wait3A_61 = arith.constant 0 : i32
    %dma_wait3A_62 = tpu.memref_slice %arg7[%dma_wait3A_58, %dma_wait3A_60, %dma_wait3A_61] : memref<6x128x128xf32, #tpu.memory_space<vmem>> -> memref<1x128x128xf32, #tpu.memory_space<vmem>>
    %dma_wait3A_63 = tpu.memref_squeeze %dma_wait3A_62 : memref<1x128x128xf32, #tpu.memory_space<vmem>> -> memref<128x128xf32, #tpu.memory_space<vmem>>
    %dma_wait3A_64 = arith.constant 0 : i32
    %dma_wait3A_65 = tpu.memref_slice %arg5[%dma_wait3A_59, %mul3A_2, %dma_wait3A_64] : memref<70x4096x128xf32, #tpu.memory_space<hbm>> -> memref<1x128x128xf32, #tpu.memory_space<hbm>>
    %dma_wait3A_66 = tpu.memref_squeeze %dma_wait3A_65 : memref<1x128x128xf32, #tpu.memory_space<hbm>> -> memref<128x128xf32, #tpu.memory_space<hbm>>
    %dma_wait3A_67 = arith.constant 0 : i32
    %dma_wait3A_68 = tpu.memref_slice %arg5[%dma_wait3A_59, %mul3A_2, %dma_wait3A_67] : memref<70x4096x128xf32, #tpu.memory_space<hbm>> -> memref<1x128x128xf32, #tpu.memory_space<hbm>>
    %dma_wait3A_69 = tpu.memref_squeeze %dma_wait3A_68 : memref<1x128x128xf32, #tpu.memory_space<hbm>> -> memref<128x128xf32, #tpu.memory_space<hbm>>
    %dma_wait3A_70 = arith.constant 0 : i32
    %dma_wait3A_71 = arith.constant 0 : i32
    %dma_wait3A_72 = tpu.memref_slice %arg7[%dma_wait3A_58, %dma_wait3A_70, %dma_wait3A_71] : memref<6x128x128xf32, #tpu.memory_space<vmem>> -> memref<1x128x128xf32, #tpu.memory_space<vmem>>
    %dma_wait3A_73 = tpu.memref_squeeze %dma_wait3A_72 : memref<1x128x128xf32, #tpu.memory_space<vmem>> -> memref<128x128xf32, #tpu.memory_space<vmem>>
    tpu.wait_dma2 semaphore(%arg9 : memref<!tpu.dma_semaphore, #tpu.memory_space<semaphore_mem>>) src(%dma_wait3A_73 : memref<128x128xf32, #tpu.memory_space<vmem>>) dst(%dma_wait3A_69 : memref<128x128xf32, #tpu.memory_space<hbm>>)
    %dma_wait3A_74 = arith.constant 1 : i32
    %dma_wait3A_75 = arith.constant 69 : i32
    %dma_wait3A_76 = arith.constant 0 : i32
    %dma_wait3A_77 = arith.constant 0 : i32
    %dma_wait3A_78 = tpu.memref_slice %arg7[%dma_wait3A_74, %dma_wait3A_76, %dma_wait3A_77] : memref<6x128x128xf32, #tpu.memory_space<vmem>> -> memref<1x128x128xf32, #tpu.memory_space<vmem>>
    %dma_wait3A_79 = tpu.memref_squeeze %dma_wait3A_78 : memref<1x128x128xf32, #tpu.memory_space<vmem>> -> memref<128x128xf32, #tpu.memory_space<vmem>>
    %dma_wait3A_80 = arith.constant 0 : i32
    %dma_wait3A_81 = tpu.memref_slice %arg5[%dma_wait3A_75, %mul3A_2, %dma_wait3A_80] : memref<70x4096x128xf32, #tpu.memory_space<hbm>> -> memref<1x128x128xf32, #tpu.memory_space<hbm>>
    %dma_wait3A_82 = tpu.memref_squeeze %dma_wait3A_81 : memref<1x128x128xf32, #tpu.memory_space<hbm>> -> memref<128x128xf32, #tpu.memory_space<hbm>>
    %dma_wait3A_83 = arith.constant 0 : i32
    %dma_wait3A_84 = tpu.memref_slice %arg5[%dma_wait3A_75, %mul3A_2, %dma_wait3A_83] : memref<70x4096x128xf32, #tpu.memory_space<hbm>> -> memref<1x128x128xf32, #tpu.memory_space<hbm>>
    %dma_wait3A_85 = tpu.memref_squeeze %dma_wait3A_84 : memref<1x128x128xf32, #tpu.memory_space<hbm>> -> memref<128x128xf32, #tpu.memory_space<hbm>>
    %dma_wait3A_86 = arith.constant 0 : i32
    %dma_wait3A_87 = arith.constant 0 : i32
    %dma_wait3A_88 = tpu.memref_slice %arg7[%dma_wait3A_74, %dma_wait3A_86, %dma_wait3A_87] : memref<6x128x128xf32, #tpu.memory_space<vmem>> -> memref<1x128x128xf32, #tpu.memory_space<vmem>>
    %dma_wait3A_89 = tpu.memref_squeeze %dma_wait3A_88 : memref<1x128x128xf32, #tpu.memory_space<vmem>> -> memref<128x128xf32, #tpu.memory_space<vmem>>
    tpu.wait_dma2 semaphore(%arg9 : memref<!tpu.dma_semaphore, #tpu.memory_space<semaphore_mem>>) src(%dma_wait3A_89 : memref<128x128xf32, #tpu.memory_space<vmem>>) dst(%dma_wait3A_85 : memref<128x128xf32, #tpu.memory_space<hbm>>)
    return
  }
}

module attributes {stable_mosaic.version = 14 : i64} {
  func.func @_proj_block(%arg0: memref<1000x128xf32, #tpu.memory_space<vmem>>, %arg1: memref<128x128xf32, #tpu.memory_space<vmem>>, %arg2: memref<1x128xf32, #tpu.memory_space<vmem>>, %arg3: memref<1000x128xf32, #tpu.memory_space<vmem>>) attributes {dimension_semantics = [], scalar_prefetch = 0 : i64, scratch_operands = 0 : i64, tpu.core_type = #tpu.core_type<tc>} {
    %get3A = arith.constant 0 : index
    %get3A_0 = arith.constant 0 : index
    %get3A_1 = vector.load %arg0[%get3A, %get3A_0] : memref<1000x128xf32, #tpu.memory_space<vmem>>, vector<1000x128xf32>
    %get3A_2 = arith.constant 0 : index
    %get3A_3 = arith.constant 0 : index
    %get3A_4 = vector.load %arg1[%get3A_2, %get3A_3] : memref<128x128xf32, #tpu.memory_space<vmem>>, vector<128x128xf32>
    %dot_general3A = arith.constant dense<0.000000e+00> : vector<1000x128xf32>
    %dot_general3A_5 = tpu.matmul %get3A_1, %get3A_4, %dot_general3A {dimension_numbers = #tpu.dot_dimension_numbers<[1], [0], [0], [1], [0, 0, 1, 1], [], []>, transpose_lhs_hint = false} : vector<1000x128xf32>, vector<128x128xf32>, vector<1000x128xf32> -> vector<1000x128xf32>
    %get3A_6 = arith.constant 0 : index
    %get3A_7 = arith.constant 0 : index
    %get3A_8 = vector.load %arg2[%get3A_6, %get3A_7] : memref<1x128xf32, #tpu.memory_space<vmem>>, vector<1x128xf32>
    %add3A = vector.broadcast %get3A_8 : vector<1x128xf32> to vector<1000x128xf32>
    %add3A_9 = arith.addf %dot_general3A_5, %add3A : vector<1000x128xf32>
    %swap3A = arith.constant 0 : index
    %swap3A_10 = arith.constant 0 : index
    %swap3A_11 = vector.load %arg3[%swap3A, %swap3A_10] : memref<1000x128xf32, #tpu.memory_space<vmem>>, vector<1000x128xf32>
    tpu.vector_store %arg3[%swap3A, %swap3A_10], %add3A_9 {strides = array<i32>} : memref<1000x128xf32, #tpu.memory_space<vmem>>, vector<1000x128xf32>,
    return
  }
}

module attributes {stable_mosaic.version = 14 : i64} {
  func.func @_proj_block(%arg0: i32, %arg1: memref<10000x128xf32, #tpu.memory_space<vmem>>, %arg2: memref<128x128xf32, #tpu.memory_space<vmem>>, %arg3: memref<1x128xf32, #tpu.memory_space<vmem>>, %arg4: memref<10000x128xf32, #tpu.memory_space<vmem>>) attributes {dimension_semantics = [#tpu.dimension_semantics<arbitrary>], iteration_bounds = array<i64: 10>, scalar_prefetch = 0 : i64, scratch_operands = 0 : i64, tpu.core_type = #tpu.core_type<tc>, window_params = [{transform_indices = @transform_0, window_bounds = array<i64: 10000, 128>}, {pipeline_mode = #tpu.pipeline_mode<synchronous>, transform_indices = @transform_1, window_bounds = array<i64: 128, 128>}, {pipeline_mode = #tpu.pipeline_mode<synchronous>, transform_indices = @transform_2, window_bounds = array<i64: 1, 128>}, {transform_indices = @transform_3, window_bounds = array<i64: 10000, 128>}]} {
    %get3A = arith.constant 0 : index
    %get3A_0 = arith.constant 0 : index
    %get3A_1 = vector.load %arg1[%get3A, %get3A_0] : memref<10000x128xf32, #tpu.memory_space<vmem>>, vector<10000x128xf32>
    %get3A_2 = arith.constant 0 : index
    %get3A_3 = arith.constant 0 : index
    %get3A_4 = vector.load %arg2[%get3A_2, %get3A_3] : memref<128x128xf32, #tpu.memory_space<vmem>>, vector<128x128xf32>
    %dot_general3A = arith.constant dense<0.000000e+00> : vector<10000x128xf32>
    %dot_general3A_5 = tpu.matmul %get3A_1, %get3A_4, %dot_general3A {dimension_numbers = #tpu.dot_dimension_numbers<[1], [0], [0], [1], [0, 0, 1, 1], [], []>, transpose_lhs_hint = false} : vector<10000x128xf32>, vector<128x128xf32>, vector<10000x128xf32> -> vector<10000x128xf32>
    %get3A_6 = arith.constant 0 : index
    %get3A_7 = arith.constant 0 : index
    %get3A_8 = vector.load %arg3[%get3A_6, %get3A_7] : memref<1x128xf32, #tpu.memory_space<vmem>>, vector<1x128xf32>
    %add3A = vector.broadcast %get3A_8 : vector<1x128xf32> to vector<10000x128xf32>
    %add3A_9 = arith.addf %dot_general3A_5, %add3A : vector<10000x128xf32>
    %swap3A = arith.constant 0 : index
    %swap3A_10 = arith.constant 0 : index
    %swap3A_11 = vector.load %arg4[%swap3A, %swap3A_10] : memref<10000x128xf32, #tpu.memory_space<vmem>>, vector<10000x128xf32>
    tpu.vector_store %arg4[%swap3A, %swap3A_10], %add3A_9 {strides = array<i32>} : memref<10000x128xf32, #tpu.memory_space<vmem>>, vector<10000x128xf32>,
    return
  }
  func.func @transform_0(%arg0: i32) -> (i32, i32) {
    %c0_i32 = arith.constant 0 : i32
    %c0_i32_0 = arith.constant 0 : i32
    return %arg0, %c0_i32 : i32, i32
  }
  func.func @transform_1(%arg0: i32) -> (i32, i32) {
    %c0_i32 = arith.constant 0 : i32
    %c0_i32_0 = arith.constant 0 : i32
    %c0_i32_1 = arith.constant 0 : i32
    return %c0_i32, %c0_i32_0 : i32, i32
  }
  func.func @transform_2(%arg0: i32) -> (i32, i32) {
    %c0_i32 = arith.constant 0 : i32
    %c0_i32_0 = arith.constant 0 : i32
    %c0_i32_1 = arith.constant 0 : i32
    return %c0_i32, %c0_i32_0 : i32, i32
  }
  func.func @transform_3(%arg0: i32) -> (i32, i32) {
    %c0_i32 = arith.constant 0 : i32
    %c0_i32_0 = arith.constant 0 : i32
    return %arg0, %c0_i32 : i32, i32
  }
}

</mosaic_0001>

<sc_bundles>
// kernel: kernel.6.cloned.1.call-start
scs
__scs_entry_jumppad:
0x0: {  	(pc) =	sbr.rel $0x88, $3  }
0x1: {  	(tag) =	ssettag $0x0;
	lr =	simm.s32 $0x1  }
0x2: {  	[smem:$0x3F99] =	sst lr;
	_ =	strace $0xD0000000  }
0x3: {  	_ = 	snop  }
0x4: {  	_ = 	snop  }
0x5: {  	_ = 	snop  }
0x6: {  	_ = 	snop  }
0x7: {  	_ = 	snop  }
__scs_overlays_trampoline_lowered:
0x8: {  	[smem:$0x3FA8] =	sst s0  }
0x9: {  	[smem:$0x3FA9] =	sst s1  }
0xa: {  	[smem:$0x3FAA] =	sst s2  }
0xb: {  	[smem:$0x3FAB] =	sst s3  }
0xc: {  	[smem:$0x3FAC] =	sst s4  }
0xd: {  	[smem:$0x3FAD] =	sst s5  }
0xe: {  	[smem:$0x3FAE] =	sst s6  }
0xf: {  	[smem:$0x3FAF] =	sst s7  }
0x10: {  	[smem:$0x3FB0] =	sst s8  }
0x11: {  	[smem:$0x3FB1] =	sst s9;
	s0 =	simm.s32 @!p0 $0x0  }
0x12: {  	s1 =	sld [smem:$0x3F97];
	s0 =	simm.s32 @p0 $0x1  }
0x13: {  	[smem:$0x3FB2] =	sst s0;
	s0 =	simm.s32 @!p1 $0x0  }
0x14: {  	s2 =	sld [smem:$0x3F96];
	s0 =	simm.s32 @p1 $0x1  }
0x15: {  	[smem:$0x3FB3] =	sst s0;
	s0 =	simm.s32 @!p2 $0x0  }
0x16: {  	s3 =	sld [smem:$0x3FDB];
	s0 =	simm.s32 @p2 $0x1  }
0x17: {  	s4 =	simm.s32 $0x1BF5;
	[smem:$0x3FB5] =	sst s0  }
0x18: {  	s0 =	sld [smem:$0x3F98];
	_ =	swait.ge [sflag:s4], $0x0  }
0x19: {  	s7 =	sld [smem:$0x3F99]  }
0x1a: {  	s8 =	sadd.s32 $0xFFFFE003, lr  }
0x1b: {  	s9 =	sadd.s32 $0xFFFFFEF7, lr;
	s5 =	simm.s32 $0xFFFFFFFF;
	p2 =	slt.u32 s8, $0xFFFFF086  }
0x1c: {  	p1 =	slt.u32 s9, $0xF7A;
	s5 =	simm.s32 @!p2 $0x0  }
0x1d: {  	s5 =	simm.s32 @p1 $0x1;
	p0 =	seq.s32 s7, s2  }
0x1e: {  	s7 =	smul.u32 @!p0 $0xF7A, s2;
	p2 =	seq.s32 @!p0 s5, $0x0  }
0x1f: {  	s9 =	smul.u32 $0xF7A, s1;
	s8 =	simm.s32 @!p0 $0x1BF5;
	p2 =	por !p2, p0  }
0x20: {  	[sflag:s8] =	ssyncset.s32 @!p0 $0xFFFFF086;
	s6 =	sadd.s32 @!p0 s3, s7;
	s7 =	simm.s32 @!p0 $0x108  }
0x21: {  	s3 =	sadd.s32 s3, s9;
	s6 =	sadd.s32 @!p0 $0x88, s6;
	s7 =	simm.s32 @p2 $0x1082  }
0x22: {  	[simem:s7], [sflag:s8] =	dma.local @!p0 [hbm:s6], $0xF7A  }
0x23: {  	s9 =	sor.u32 $0xD0000000, s2;
	s6 =	simm.s32 $0x108;
	_ =	swait.ge @!p0 [sflag:s8], $0x0  }
0x24: {  	s3 =	sadd.s32 $0x88, s3;
	s6 =	simm.s32 @!p1 $0x1082;
	[sflag:s4] =	ssyncset.s32 $0xFFFFF086  }
0x25: {  	[simem:s6], [sflag:s4] =	dma.local [hbm:s3], $0xF7A  }
0x26: {  	[smem:$0x3F99] =	sst s1;
	(tag) =	ssettag s2;
	_ =	strace s9  }
0x27: {  	s1 =	sld [smem:$0x3FA9]  }
0x28: {  	s2 =	sld [smem:$0x3FAA]  }
0x29: {  	s4 =	sld [smem:$0x3FAC]  }
0x2a: {  	p0 =	seq.s32 s5, $0x0;
	s5 =	sld [smem:$0x3FAD]  }
0x2b: {  	s6 =	sld [smem:$0x3FAE]  }
0x2c: {  	s7 =	sld [smem:$0x3FAF]  }
0x2d: {  	s3 =	simm.s32 $0x108;
	s8 =	sld [smem:$0x3FB0]  }
0x2e: {  	s3 =	simm.s32 @!p0 $0x1082;
	s9 =	sld [smem:$0x3FB1]  }
0x2f: {  	lr =	sadd.s32 s0, s3;
	s0 =	sld [smem:$0x3FA8]  }
0x30: {  	s3 =	sld [smem:$0x3FAB]  }
0x31: {  	[smem:$0x3FB4] =	sst s10  }
0x32: {  	s10 =	sld [smem:$0x3FB2];
	_ =	sdelay $0x3  }
0x33: {  	p0 =	seq.s32 s10, $0x1;
	s10 =	sld [smem:$0x3FB4];
	_ =	sdelay $0x3  }
0x34: {  	[smem:$0x3FB4] =	sst s10  }
0x35: {  	s10 =	sld [smem:$0x3FB3];
	_ =	sdelay $0x3  }
0x36: {  	p1 =	seq.s32 s10, $0x1;
	s10 =	sld [smem:$0x3FB4];
	_ =	sdelay $0x3  }
0x37: {  	[smem:$0x3FB4] =	sst s10  }
0x38: {  	s10 =	sld [smem:$0x3FB5]  }
0x39: {  	_ = 	snop;
	(pc) =	sbr.ind lr, $3  }
0x3a: {  	_ = 	snop  }
0x3b: {  	_ = 	snop  }
0x3c: {  	p2 =	seq.s32 s10, $0x1;
	s10 =	sld [smem:$0x3FB4]  }
0x3d: {  	_ =	shalt  }
0x3e: {  	_ =	shalt  }
0x3f: {  	_ =	shalt  }
0x40: {  	_ =	shalt  }
0x41: {  	_ =	shalt  }
0x42: {  	_ =	shalt  }
0x43: {  	_ =	shalt  }
0x44: {  	_ =	shalt  }
0x45: {  	_ =	shalt  }
0x46: {  	_ =	shalt  }
0x47: {  	_ =	shalt  }
0x48: {  	_ =	shalt  }
0x49: {  	_ =	shalt  }
0x4a: {  	_ =	shalt  }
0x4b: {  	_ =	shalt  }
0x4c: {  	_ =	shalt  }
0x4d: {  	_ =	shalt  }
0x4e: {  	_ =	shalt  }
0x4f: {  	_ =	shalt  }
0x50: {  	_ =	shalt  }
0x51: {  	_ =	shalt  }
0x52: {  	_ =	shalt  }
0x53: {  	_ =	shalt  }
0x54: {  	_ =	shalt  }
0x55: {  	_ =	shalt  }
0x56: {  	_ =	shalt  }
0x57: {  	_ =	shalt  }
0x58: {  	_ =	shalt  }
0x59: {  	_ =	shalt  }
0x5a: {  	_ =	shalt  }
0x5b: {  	_ =	shalt  }
0x5c: {  	_ =	shalt  }
0x5d: {  	_ =	shalt  }
0x5e: {  	_ =	shalt  }
0x5f: {  	_ =	shalt  }
0x60: {  	_ =	shalt  }
0x61: {  	_ =	shalt  }
0x62: {  	_ =	shalt  }
0x63: {  	_ =	shalt  }
0x64: {  	_ =	shalt  }
0x65: {  	_ =	shalt  }
0x66: {  	_ =	shalt  }
0x67: {  	_ =	shalt  }
0x68: {  	_ =	shalt  }
0x69: {  	_ =	shalt  }
0x6a: {  	_ =	shalt  }
0x6b: {  	_ =	shalt  }
0x6c: {  	_ =	shalt  }
0x6d: {  	_ =	shalt  }
0x6e: {  	_ =	shalt  }
0x6f: {  	_ =	shalt  }
0x70: {  	_ =	shalt  }
0x71: {  	_ =	shalt  }
0x72: {  	_ =	shalt  }
0x73: {  	_ =	shalt  }
0x74: {  	_ =	shalt  }
0x75: {  	_ =	shalt  }
0x76: {  	_ =	shalt  }
0x77: {  	_ =	shalt  }
0x78: {  	_ =	shalt  }
0x79: {  	_ =	shalt  }
0x7a: {  	_ =	shalt  }
0x7b: {  	_ =	shalt  }
0x7c: {  	_ =	shalt  }
0x7d: {  	_ =	shalt  }
0x7e: {  	_ =	shalt  }
0x7f: {  	_ =	shalt  }
0x80: {  	_ =	shalt  }
0x81: {  	_ =	shalt  }
0x82: {  	_ =	shalt  }
0x83: {  	_ =	shalt  }
0x84: {  	_ =	shalt  }
0x85: {  	_ =	shalt  }
0x86: {  	_ =	shalt  }
0x87: {  	_ =	shalt  }
.Lfunc_end0:
.L_simem_size_0:
called_computation_lowered:
.L_overlay_start_0:
0x88: {  	s2 =	sld [smem:$0x3FD9]  }
0x89: {  	s3 =	sld [smem:$0x3FFE];
	_ =	sdelay $0x1  }
0x8a: {  	s1 =	srdreg.scid  }
0x8b: {  	s0 =	sand.u32 $0x1, s1  }
0x8c: {  	s14 =	sshll.u32 s0, $0xA;
	s2 =	sadd.s32 s3, s2  }
0x8d: {  	s2 =	sadd.s32 s2, s14  }
0x8e: {  	[smem:$0x3FC0] =	sst s2  }
0x8f: {  	_ = 	snop  }
0x90: {  	s2 =	sld [smem:$0x3FD0];
	_ =	sdelay $0x2  }
0x91: {  	s15 =	simm.s32 $0xA;
	s4 =	simm.s32 $0x10  }
0x92: {  	[smem:s4], [sflag:s15] =	dma.local [hbm:s2], $0x1  }
0x93: {  	_ =	swait.eq [sflag:s15], $0x1  }
0x94: {  	[sflag:s15] =	ssyncset.done $0x0  }
0x95: {  	[sflag:s15] =	ssyncadd.s32 $0xFFFFFFFF  }
0x96: {  	s16 =	sld [smem:$0x10];
	(tm) =	ssettm $0x1  }
0x97: {  	s17 =	sld [smem:$0x3FFB];
	_ =	sdelay $0x3  }
0x98: {  	_ =	strace s17  }
0x99: {  	s3 =	sld [smem:$0x3FFC];
	_ =	sdelay $0x3  }
0x9a: {  	_ =	strace s3  }
0x9b: {  	s3 =	sld [smem:$0x3FFD];
	_ =	sdelay $0x3  }
0x9c: {  	_ =	strace s3  }
0x9d: {  	_ =	strace $0x8FFFFFFF  }
0x9e: {  	s18 =	sld [smem:$0x3FDB];
	_ =	sdelay $0x1  }
0x9f: {  	s19 =	simm.s32 $_scs_section_size  }
0xa0: {  	s5 =	simm.s32 $_size__tile_overlayer_lowered;
	s6 =	simm.s32 $_tile_overlayer_lowered  }
0xa1: {  	s22 =	simm.s32 $0x1BFF;
	s21 =	sshll.u32 s6, $0x1;
	s3 =	sadd.s32 s19, s18  }
0xa2: {  	s7 =	simm.s32 $0x0;
	s20 =	sshll.u32 s5, $0x1;
	s5 =	sadd.s32 s21, s3  }
0xa3: {  	[timem:s7], [sflag:s22] =	dma.local [hbm:s5], s20  }
0xa4: {  	_ =	swait.ge [sflag:s22], s20  }
0xa5: {  	s4 =	ssub.s32 $0x0, s20;
	[sflag:s22] =	ssyncset.done $0x0  }
0xa6: {  	[sflag:s22] =	ssyncadd.s32 s4;
	_ =	sdelay $0x1  }
0xa7: {  	s23 =	simm.s32 $0x1B8B  }
0xa8: {  	_ =	swait.ge [sflag:s23], $0x1  }
0xa9: {  	[sflag:s23] =	ssyncset.done $0x0  }
0xaa: {  	s25 =	simm.s32 $0x1B8E;
	s24 =	sld [smem:$0x3FFE];
	[sflag:s23] =	ssyncadd.s32 $0xFFFFFFFF  }
0xab: {  	s26 =	simm.s32 $execute0_lowered;
	[smem:$0x3FD2] =	sst s25  }
0xac: {  	s5 =	sshll.u32 s26, $0x1;
	_ =	strace $0x80000046;
	[dreg:$0x1] =	wrdreg $0xFFFFFFFF  }
0xad: {  	s28 =	simm.s32 $_size_execute0_lowered;
	s3 =	sadd.s32 s3, s5;
	[dreg:$0x0] =	wrdreg $0x0  }
0xae: {  	s5 =	sshll.u32 s28, $0x1;
	[dreg:$0x2] =	wrdreg s3  }
0xaf: {  	[dreg:$0x3] =	wrdreg s5  }
0xb0: {  	[dreg:$0x4] =	wrdreg $0xC0  }
0xb1: {  	_ =	task [dreg:s7], $0x5FFFF  }
0xb2: {  	[dreg:$0x1] =	wrdreg $0xFFFFFFFF  }
0xb3: {  	[dreg:$0x0] =	wrdreg $0x60  }
0xb4: {  	[dreg:$0x2] =	wrdreg s24  }
0xb5: {  	[dreg:$0x3] =	wrdreg s16  }
0xb6: {  	[dreg:$0x4] =	wrdreg $0x9  }
0xb7: {  	_ =	task.clear_ibuf [dreg:s7], $0x5FFFF;
	_ =	strace $0x90000046  }
0xb8: {  	s29 =	simm.s32 $0x9;
	_ =	strace $0x80000048  }
0xb9: {  	_ =	swait.ge [sflag:s29], $0x1  }
0xba: {  	[sflag:s29] =	ssyncadd.s32 $0xFFFFFFFF  }
0xbb: {  	_ =	strace $0x90000048  }
0xbc: {  	_ =	sfence  }
0xbd: {  	s30 =	sld [smem:$0x0];
	_ =	sdelay $0x2  }
0xbe: {  	s31 =	sshll.u32 s1, $0xD;
	s1 =	sshrl.u32 s1, $0x2  }
0xbf: {  	s3 =	sand.u32 $0x4000, s31;
	s1 =	sadd.s32 s1, s30  }
0xc0: {  	s0 =	sor.u32 s3, s0;
	s1 =	sshll.u32 s1, $0x11  }
0xc1: {  	s0 =	sor.u32 s1, s0  }
0xc2: {  	s0 =	sadd.s32 $0x8F2B, s0  }
0xc3: {  	[sflag:s0] =	ssyncadd.remote.s32 $0x1  }
0xc4: {  	_ =	sfence.sel $0xFFFF  }
0xc5: {  	[dreg:$0x0] =	wrdreg $0xFFFFFFFF;
	(pc) =	sbr.abs _section_cstart, $3  }
0xc6: {  	[dreg:$0x1] =	wrdreg $0xFFFFFFFF  }
0xc7: {  	_ =	task.clear_ibuf [dreg:s7], $0x2FFFF;
	_ =	strace $0x9FFFFFFF  }
0xc8: {  	(tm) =	ssettm $0x7FFFFFFF  }
0xc9: {  	_ =	shalt  }
tec
execute0_lowered:
.L_overlay_start_1:
0x0: {  	(tag) =	ssettag $0x1  }
0x1: {  	s4 =	rddreg [dreg:$0x0];
	s1 =	srdreg.scid  }
0x2: {  	s0 =	stileid.u32;
	s5 =	rddreg [dreg:$0x1];
	s2 =	simm.s32 $0x0  }
0x3: {  	s10 =	simm.s32 $0x4C00;
	s11 =	simm.s32 $0x100;
	s12 =	simm.s32 $0x8C00  }
0x4: {  	s13 =	simm.s32 $0x1;
	s14 =	simm.s32 $0x2;
	s15 =	simm.s32 $0x0  }
0x5: {  	s6 =	sand.u32 $0x1, s1;
	s3 =	sshll.u32 s0, $0x1;
	s1 =	rddreg [dreg:$0x2]  }
0x6: {  	[smem:$0x7FF] =	sst s2;
	s9 =	sshll.u32 s0, $0xC;
	s3 =	sor.u32 s6, s3  }
0x7: {  	_ =	strace $0x80000047;
	s8 =	ssub.s32 $0x2, s6;
	s31 =	sadd.s32 s9, s5  }
0x8: {  	s6 =	sshll.u32 s6, $0xB;
	s9 =	simm.s32 $0xC00;
	s7 =	smul.u32 $0x180, s3  }
0x9: {  	s3 =	sadd.s32 $0x4600, s4;
	s30 =	sshrl.u32 s8, $0x1;
	s6 =	sadd.s32 s6, s31  }
0xa: {  	s4 =	sadd.s32 s7, s4;
	s7 =	ssub.s32 s8, s30;
	s8 =	simm.s32 $0x80  }
0xb: {  	s4 =	sadd.s32 $0x1600, s4;
	s5 =	smax.u32 s7, $0x1;
	s7 =	simm.s32 $0x3  }
.LBB2_1:
0xc: {  	[tilespmem:s2], [sflag:$0x3] =	stream.linear.gather [hbm4b:s4+s2], $0xA00, $0x38;
	[tilespmem:$0x18C00] =	vst v63  }
0xd: {  	_ =	swait.ge [sflag:s7], $0xA00  }
0xe: {  	[sflag:s7] =	ssyncset.done $0x0  }
0xf: {  	[sflag:s7] =	ssyncadd.s32 $0xFFFFF600  }
0x10: {  	[tilespmem:s9], [sflag:$0x1] =	stream.indirect.gather [hbm4b:s3+s8], $0x80, s2, s8, $0xb8;
	[tilespmem:$0x18C00] =	vst v63  }
0x11: {  	_ = 	snop  }
0x12: {  	[tilespmem:s10], [sflag:$0x1] =	stream.indirect.gather [hbm4b:s3+s8], $0x80, s8, s8, $0xb8;
	[tilespmem:$0x18C00] =	vst v63  }
0x13: {  	s16 =	simm.s32 $0x180;
	s17 =	smov.u32 s6;
	s18 =	simm.s32 $0x0  }
0x14: {  	[tilespmem:s12], [sflag:$0x1] =	stream.indirect.gather [hbm4b:s3+s8], $0x80, s11, s8, $0xb8;
	[tilespmem:$0x18C00] =	vst v63  }
.LBB2_2:
0x15: {  	p0 =	slt.u32 s18, $0x3  }
0x16: {  	s19 =	simm.s32 @!p0 $0x2  }
0x17: {  	p1 =	sgt.u32 @!p0 s18, $0x10;
	_ =	swait.ge @!p0 [sflag:s19], $0x4000  }
0x18: {  	p1 =	por p0, !p1;
	[sflag:s19] =	ssyncset.done @!p0 $0x0  }
0x19: {  	[sflag:s19] =	ssyncadd.s32 @!p0 $0xFFFFC000;
	s19 =	sadd.s32 @p1 $0x3, s18  }
0x1a: {  	s20 =	smul.u32 @p1 $0xAB, s19;
	_ =	sdelay $0x1  }
0x1b: {  	s20 =	sshrl.u32 @p1 s20, $0xA  }
0x1c: {  	s20 =	sand.u32 @p1 $0x3F, s20  }
0x1d: {  	s20 =	smul.u32 @p1 $0x6, s20;
	_ =	sdelay $0x1  }
0x1e: {  	s19 =	ssub.s32 @p1 s19, s20  }
0x1f: {  	s19 =	sand.u32 @p1 $0xFF, s19  }
0x20: {  	s19 =	sshll.u32 @p1 s19, $0xE  }
0x21: {  	s31 =	smul.u32 $0xAB, s18;
	s19 =	sor.u32 @p1 $0xC00, s19  }
0x22: {  	[tilespmem:s19], [sflag:$0x1] =	stream.indirect.gather @p1 [hbm4b:s3+s8], $0x80, s16, s8, $0xb8;
	[tilespmem:$0x18C00] =	vst v63  }
0x23: {  	s19 =	sshrl.u32 s31, $0xA  }
0x24: {  	s19 =	sand.u32 $0x3F, s19  }
0x25: {  	s19 =	smul.u32 $0x6, s19;
	_ =	sdelay $0x1  }
0x26: {  	s19 =	ssub.s32 s18, s19;
	s18 =	sadd.s32 $0x1, s18  }
0x27: {  	p0 =	sne.s32 s18, $0x14  }
.Ltmp0:
0x28: {  	_ =	swait.ge [sflag:s13], $0x4000;
	s19 =	sand.u32 $0xFF, s19;
	(pc) =	sbr.rel @p0 .LBB2_2-.Ltmp0, $4  }
0x29: {  	[sflag:s13] =	ssyncset.done $0x0;
	s19 =	sshll.u32 s19, $0xE  }
0x2a: {  	[sflag:s13] =	ssyncadd.s32 $0xFFFFC000;
	s19 =	sor.u32 $0xC00, s19  }
0x2b: {  	[hbm4b:s17+s2] =	stream.linear.scatter [tilespmem:s19], [sflag:$0x2], $0x4000, $0x38;
	[tilespmem:$0x18C00] =	vst v63  }
0x2c: {  	s16 =	sadd.s32 $0x80, s16;
	s17 =	sadd.s32 $0x10000, s17  }
0x2d: {  	_ =	swait.ge [sflag:s14], $0x4000  }
0x2e: {  	[sflag:s14] =	ssyncset.done $0x0  }
0x2f: {  	s15 =	sadd.s32 $0x1, s15;
	[sflag:s14] =	ssyncadd.s32 $0xFFFFC000  }
0x30: {  	p0 =	sne.s32 s15, s5;
	_ =	swait.ge [sflag:s14], $0x4000  }
.Ltmp1:
0x31: {  	[sflag:s14] =	ssyncset.done $0x0;
	(pc) =	sbr.rel @p0 .LBB2_1-.Ltmp1, $4  }
0x32: {  	[sflag:s14] =	ssyncadd.s32 $0xFFFFC000  }
0x33: {  	_ =	swait.ge [sflag:s14], $0x4000  }
0x34: {  	[sflag:s14] =	ssyncset.done $0x0  }
0x35: {  	[sflag:s14] =	ssyncadd.s32 $0xFFFFC000  }
0x36: {  	_ =	sfence.sel $0x180000  }
0x37: {  	[bflag:$0x0] =	sbarrier.arrive $0xFFFF  }
0x38: {  	p0 =	sne.s32 s0, $0x0;
	_ =	strace $0x90000047  }
0x39: {  	s0 =	sadd.s32 @!p0 $0x100000, s1;
	[bflag:$0x2] =	sbarrier.arrive $0xFFFF  }
0x3a: {  	[sflag:s0] =	ssyncadd.tile.s32 @!p0 $0x1;
	_ =	shalt  }
.Lfunc_end2:
_tile_overlayer_lowered:
.L_overlay_start_2:
0x3b: {  	(tag) =	ssettag $0x2  }
0x3c: {  	s0 =	rddreg [dreg:$0x0];
	s2 =	stileid.u32  }
0x3d: {  	s1 =	rddreg [dreg:$0x1];
	p0 =	sne.s32 s2, $0x0  }
0x3e: {  	s3 =	rddreg [dreg:$0x2];
	[bflag:$0x3] =	sbarrier.arrive $0xFFFF;
	s2 =	simm.s32 @!p0 $0x1C03  }
0x3f: {  	[timem:s3], [sflag:s2] =	dma.local @!p0 [hbm:s0], s1  }
0x40: {  	s0 =	simm.s32 @!p0 $0x3  }
0x41: {  	_ =	swait.ge @!p0 [sflag:s0], s1  }
0x42: {  	s1 =	ssub.s32 @!p0 $0x0, s1;
	[sflag:s0] =	ssyncset.done @!p0 $0x0  }
0x43: {  	[sflag:s0] =	ssyncadd.s32 @!p0 s1  }
0x44: {  	[bflag:$0x3] =	sbarrier.arrive $0xFFFF  }
0x45: {  	_ =	shalt  }

// kernel: kernel.9.cloned.1.call-start
scs
__scs_entry_jumppad:
0x0: {  	(pc) =	sbr.rel $0x88, $3  }
0x1: {  	(tag) =	ssettag $0x0;
	lr =	simm.s32 $0x1  }
0x2: {  	[smem:$0x3F99] =	sst lr;
	_ =	strace $0xD0000000  }
0x3: {  	_ = 	snop  }
0x4: {  	_ = 	snop  }
0x5: {  	_ = 	snop  }
0x6: {  	_ = 	snop  }
0x7: {  	_ = 	snop  }
__scs_overlays_trampoline_lowered:
0x8: {  	[smem:$0x3FA8] =	sst s0  }
0x9: {  	[smem:$0x3FA9] =	sst s1  }
0xa: {  	[smem:$0x3FAA] =	sst s2  }
0xb: {  	[smem:$0x3FAB] =	sst s3  }
0xc: {  	[smem:$0x3FAC] =	sst s4  }
0xd: {  	[smem:$0x3FAD] =	sst s5  }
0xe: {  	[smem:$0x3FAE] =	sst s6  }
0xf: {  	[smem:$0x3FAF] =	sst s7  }
0x10: {  	[smem:$0x3FB0] =	sst s8  }
0x11: {  	[smem:$0x3FB1] =	sst s9;
	s0 =	simm.s32 @!p0 $0x0  }
0x12: {  	s1 =	sld [smem:$0x3F97];
	s0 =	simm.s32 @p0 $0x1  }
0x13: {  	[smem:$0x3FB2] =	sst s0;
	s0 =	simm.s32 @!p1 $0x0  }
0x14: {  	s2 =	sld [smem:$0x3F96];
	s0 =	simm.s32 @p1 $0x1  }
0x15: {  	[smem:$0x3FB3] =	sst s0;
	s0 =	simm.s32 @!p2 $0x0  }
0x16: {  	s3 =	sld [smem:$0x3FDB];
	s0 =	simm.s32 @p2 $0x1  }
0x17: {  	s4 =	simm.s32 $0x1BF5;
	[smem:$0x3FB5] =	sst s0  }
0x18: {  	s0 =	sld [smem:$0x3F98];
	_ =	swait.ge [sflag:s4], $0x0  }
0x19: {  	s7 =	sld [smem:$0x3F99]  }
0x1a: {  	s8 =	sadd.s32 $0xFFFFE003, lr  }
0x1b: {  	s9 =	sadd.s32 $0xFFFFFEF7, lr;
	s5 =	simm.s32 $0xFFFFFFFF;
	p2 =	slt.u32 s8, $0xFFFFF086  }
0x1c: {  	p1 =	slt.u32 s9, $0xF7A;
	s5 =	simm.s32 @!p2 $0x0  }
0x1d: {  	s5 =	simm.s32 @p1 $0x1;
	p0 =	seq.s32 s7, s2  }
0x1e: {  	s7 =	smul.u32 @!p0 $0xF7A, s2;
	p2 =	seq.s32 @!p0 s5, $0x0  }
0x1f: {  	s9 =	smul.u32 $0xF7A, s1;
	s8 =	simm.s32 @!p0 $0x1BF5;
	p2 =	por !p2, p0  }
0x20: {  	[sflag:s8] =	ssyncset.s32 @!p0 $0xFFFFF086;
	s6 =	sadd.s32 @!p0 s3, s7;
	s7 =	simm.s32 @!p0 $0x108  }
0x21: {  	s3 =	sadd.s32 s3, s9;
	s6 =	sadd.s32 @!p0 $0x88, s6;
	s7 =	simm.s32 @p2 $0x1082  }
0x22: {  	[simem:s7], [sflag:s8] =	dma.local @!p0 [hbm:s6], $0xF7A  }
0x23: {  	s9 =	sor.u32 $0xD0000000, s2;
	s6 =	simm.s32 $0x108;
	_ =	swait.ge @!p0 [sflag:s8], $0x0  }
0x24: {  	s3 =	sadd.s32 $0x88, s3;
	s6 =	simm.s32 @!p1 $0x1082;
	[sflag:s4] =	ssyncset.s32 $0xFFFFF086  }
0x25: {  	[simem:s6], [sflag:s4] =	dma.local [hbm:s3], $0xF7A  }
0x26: {  	[smem:$0x3F99] =	sst s1;
	(tag) =	ssettag s2;
	_ =	strace s9  }
0x27: {  	s1 =	sld [smem:$0x3FA9]  }
0x28: {  	s2 =	sld [smem:$0x3FAA]  }
0x29: {  	s4 =	sld [smem:$0x3FAC]  }
0x2a: {  	p0 =	seq.s32 s5, $0x0;
	s5 =	sld [smem:$0x3FAD]  }
0x2b: {  	s6 =	sld [smem:$0x3FAE]  }
0x2c: {  	s7 =	sld [smem:$0x3FAF]  }
0x2d: {  	s3 =	simm.s32 $0x108;
	s8 =	sld [smem:$0x3FB0]  }
0x2e: {  	s3 =	simm.s32 @!p0 $0x1082;
	s9 =	sld [smem:$0x3FB1]  }
0x2f: {  	lr =	sadd.s32 s0, s3;
	s0 =	sld [smem:$0x3FA8]  }
0x30: {  	s3 =	sld [smem:$0x3FAB]  }
0x31: {  	[smem:$0x3FB4] =	sst s10  }
0x32: {  	s10 =	sld [smem:$0x3FB2];
	_ =	sdelay $0x3  }
0x33: {  	p0 =	seq.s32 s10, $0x1;
	s10 =	sld [smem:$0x3FB4];
	_ =	sdelay $0x3  }
0x34: {  	[smem:$0x3FB4] =	sst s10  }
0x35: {  	s10 =	sld [smem:$0x3FB3];
	_ =	sdelay $0x3  }
0x36: {  	p1 =	seq.s32 s10, $0x1;
	s10 =	sld [smem:$0x3FB4];
	_ =	sdelay $0x3  }
0x37: {  	[smem:$0x3FB4] =	sst s10  }
0x38: {  	s10 =	sld [smem:$0x3FB5]  }
0x39: {  	_ = 	snop;
	(pc) =	sbr.ind lr, $3  }
0x3a: {  	_ = 	snop  }
0x3b: {  	_ = 	snop  }
0x3c: {  	p2 =	seq.s32 s10, $0x1;
	s10 =	sld [smem:$0x3FB4]  }
0x3d: {  	_ =	shalt  }
0x3e: {  	_ =	shalt  }
0x3f: {  	_ =	shalt  }
0x40: {  	_ =	shalt  }
0x41: {  	_ =	shalt  }
0x42: {  	_ =	shalt  }
0x43: {  	_ =	shalt  }
0x44: {  	_ =	shalt  }
0x45: {  	_ =	shalt  }
0x46: {  	_ =	shalt  }
0x47: {  	_ =	shalt  }
0x48: {  	_ =	shalt  }
0x49: {  	_ =	shalt  }
0x4a: {  	_ =	shalt  }
0x4b: {  	_ =	shalt  }
0x4c: {  	_ =	shalt  }
0x4d: {  	_ =	shalt  }
0x4e: {  	_ =	shalt  }
0x4f: {  	_ =	shalt  }
0x50: {  	_ =	shalt  }
0x51: {  	_ =	shalt  }
0x52: {  	_ =	shalt  }
0x53: {  	_ =	shalt  }
0x54: {  	_ =	shalt  }
0x55: {  	_ =	shalt  }
0x56: {  	_ =	shalt  }
0x57: {  	_ =	shalt  }
0x58: {  	_ =	shalt  }
0x59: {  	_ =	shalt  }
0x5a: {  	_ =	shalt  }
0x5b: {  	_ =	shalt  }
0x5c: {  	_ =	shalt  }
0x5d: {  	_ =	shalt  }
0x5e: {  	_ =	shalt  }
0x5f: {  	_ =	shalt  }
0x60: {  	_ =	shalt  }
0x61: {  	_ =	shalt  }
0x62: {  	_ =	shalt  }
0x63: {  	_ =	shalt  }
0x64: {  	_ =	shalt  }
0x65: {  	_ =	shalt  }
0x66: {  	_ =	shalt  }
0x67: {  	_ =	shalt  }
0x68: {  	_ =	shalt  }
0x69: {  	_ =	shalt  }
0x6a: {  	_ =	shalt  }
0x6b: {  	_ =	shalt  }
0x6c: {  	_ =	shalt  }
0x6d: {  	_ =	shalt  }
0x6e: {  	_ =	shalt  }
0x6f: {  	_ =	shalt  }
0x70: {  	_ =	shalt  }
0x71: {  	_ =	shalt  }
0x72: {  	_ =	shalt  }
0x73: {  	_ =	shalt  }
0x74: {  	_ =	shalt  }
0x75: {  	_ =	shalt  }
0x76: {  	_ =	shalt  }
0x77: {  	_ =	shalt  }
0x78: {  	_ =	shalt  }
0x79: {  	_ =	shalt  }
0x7a: {  	_ =	shalt  }
0x7b: {  	_ =	shalt  }
0x7c: {  	_ =	shalt  }
0x7d: {  	_ =	shalt  }
0x7e: {  	_ =	shalt  }
0x7f: {  	_ =	shalt  }
0x80: {  	_ =	shalt  }
0x81: {  	_ =	shalt  }
0x82: {  	_ =	shalt  }
0x83: {  	_ =	shalt  }
0x84: {  	_ =	shalt  }
0x85: {  	_ =	shalt  }
0x86: {  	_ =	shalt  }
0x87: {  	_ =	shalt  }
.Lfunc_end0:
.L_simem_size_0:
called_computation.1_lowered:
.L_overlay_start_0:
0x88: {  	s2 =	sld [smem:$0x3FD9]  }
0x89: {  	s3 =	sld [smem:$0x3FFE];
	_ =	sdelay $0x1  }
0x8a: {  	s1 =	srdreg.scid  }
0x8b: {  	s0 =	sand.u32 $0x1, s1  }
0x8c: {  	s14 =	sshll.u32 s0, $0xA;
	s2 =	sadd.s32 s3, s2  }
0x8d: {  	s2 =	sadd.s32 s2, s14  }
0x8e: {  	[smem:$0x3FC0] =	sst s2  }
0x8f: {  	_ = 	snop  }
0x90: {  	s2 =	sld [smem:$0x3FD0];
	_ =	sdelay $0x2  }
0x91: {  	s15 =	simm.s32 $0xA;
	s4 =	simm.s32 $0x10  }
0x92: {  	[smem:s4], [sflag:s15] =	dma.local [hbm:s2], $0x1  }
0x93: {  	_ =	swait.eq [sflag:s15], $0x1  }
0x94: {  	[sflag:s15] =	ssyncset.done $0x0  }
0x95: {  	[sflag:s15] =	ssyncadd.s32 $0xFFFFFFFF  }
0x96: {  	s16 =	sld [smem:$0x10];
	(tm) =	ssettm $0x1  }
0x97: {  	s17 =	sld [smem:$0x3FFB];
	_ =	sdelay $0x3  }
0x98: {  	_ =	strace s17  }
0x99: {  	s3 =	sld [smem:$0x3FFC];
	_ =	sdelay $0x3  }
0x9a: {  	_ =	strace s3  }
0x9b: {  	s3 =	sld [smem:$0x3FFD];
	_ =	sdelay $0x3  }
0x9c: {  	_ =	strace s3  }
0x9d: {  	_ =	strace $0x8FFFFFFF  }
0x9e: {  	s18 =	sld [smem:$0x3FDB];
	_ =	sdelay $0x1  }
0x9f: {  	s19 =	simm.s32 $_scs_section_size  }
0xa0: {  	s5 =	simm.s32 $_size__tile_overlayer_lowered;
	s6 =	simm.s32 $_tile_overlayer_lowered  }
0xa1: {  	s22 =	simm.s32 $0x1BFF;
	s21 =	sshll.u32 s6, $0x1;
	s3 =	sadd.s32 s19, s18  }
0xa2: {  	s7 =	simm.s32 $0x0;
	s20 =	sshll.u32 s5, $0x1;
	s5 =	sadd.s32 s21, s3  }
0xa3: {  	[timem:s7], [sflag:s22] =	dma.local [hbm:s5], s20  }
0xa4: {  	_ =	swait.ge [sflag:s22], s20  }
0xa5: {  	s4 =	ssub.s32 $0x0, s20;
	[sflag:s22] =	ssyncset.done $0x0  }
0xa6: {  	[sflag:s22] =	ssyncadd.s32 s4;
	_ =	sdelay $0x1  }
0xa7: {  	s23 =	simm.s32 $0x1B8B  }
0xa8: {  	_ =	swait.ge [sflag:s23], $0x1  }
0xa9: {  	[sflag:s23] =	ssyncset.done $0x0  }
0xaa: {  	s25 =	simm.s32 $0x1B8E;
	s24 =	sld [smem:$0x3FFE];
	[sflag:s23] =	ssyncadd.s32 $0xFFFFFFFF  }
0xab: {  	s26 =	simm.s32 $execute0_lowered;
	[smem:$0x3FD2] =	sst s25  }
0xac: {  	s5 =	sshll.u32 s26, $0x1;
	_ =	strace $0x80000049;
	[dreg:$0x1] =	wrdreg $0xFFFFFFFF  }
0xad: {  	s28 =	simm.s32 $_size_execute0_lowered;
	s3 =	sadd.s32 s3, s5;
	[dreg:$0x0] =	wrdreg $0x0  }
0xae: {  	s5 =	sshll.u32 s28, $0x1;
	[dreg:$0x2] =	wrdreg s3  }
0xaf: {  	[dreg:$0x3] =	wrdreg s5  }
0xb0: {  	[dreg:$0x4] =	wrdreg $0xC0  }
0xb1: {  	_ =	task [dreg:s7], $0x5FFFF  }
0xb2: {  	[dreg:$0x1] =	wrdreg $0xFFFFFFFF  }
0xb3: {  	[dreg:$0x0] =	wrdreg $0x60  }
0xb4: {  	[dreg:$0x2] =	wrdreg s24  }
0xb5: {  	[dreg:$0x3] =	wrdreg s16  }
0xb6: {  	[dreg:$0x4] =	wrdreg $0x9  }
0xb7: {  	_ =	task.clear_ibuf [dreg:s7], $0x5FFFF;
	_ =	strace $0x90000049  }
0xb8: {  	s29 =	simm.s32 $0x9;
	_ =	strace $0x8000004B  }
0xb9: {  	_ =	swait.ge [sflag:s29], $0x1  }
0xba: {  	[sflag:s29] =	ssyncadd.s32 $0xFFFFFFFF  }
0xbb: {  	_ =	strace $0x9000004B  }
0xbc: {  	_ =	sfence  }
0xbd: {  	s30 =	sld [smem:$0x0];
	_ =	sdelay $0x2  }
0xbe: {  	s31 =	sshll.u32 s1, $0xD;
	s1 =	sshrl.u32 s1, $0x2  }
0xbf: {  	s3 =	sand.u32 $0x4000, s31;
	s1 =	sadd.s32 s1, s30  }
0xc0: {  	s0 =	sor.u32 s3, s0;
	s1 =	sshll.u32 s1, $0x11  }
0xc1: {  	s0 =	sor.u32 s1, s0  }
0xc2: {  	s0 =	sadd.s32 $0x8F2B, s0  }
0xc3: {  	[sflag:s0] =	ssyncadd.remote.s32 $0x1  }
0xc4: {  	_ =	sfence.sel $0xFFFF  }
0xc5: {  	[dreg:$0x0] =	wrdreg $0xFFFFFFFF;
	(pc) =	sbr.abs _section_cstart, $3  }
0xc6: {  	[dreg:$0x1] =	wrdreg $0xFFFFFFFF  }
0xc7: {  	_ =	task.clear_ibuf [dreg:s7], $0x2FFFF;
	_ =	strace $0x9FFFFFFF  }
0xc8: {  	(tm) =	ssettm $0x7FFFFFFF  }
0xc9: {  	_ =	shalt  }
tec
execute0_lowered:
.L_overlay_start_1:
0x0: {  	(tag) =	ssettag $0x1  }
0x1: {  	s4 =	rddreg [dreg:$0x0]  }
0x2: {  	s5 =	rddreg [dreg:$0x1]  }
0x3: {  	s0 =	rddreg [dreg:$0x2]  }
0x4: {  	s2 =	simm.s32 $0x0;
	s3 =	srdreg.scid;
	s1 =	stileid.u32  }
0x5: {  	s11 =	simm.s32 $0x100;
	s12 =	simm.s32 $0x9C00;
	s13 =	simm.s32 $0x1  }
0x6: {  	s14 =	simm.s32 $0x2;
	s15 =	simm.s32 $0x0;
	[smem:$0x7FF] =	sst s2  }
0x7: {  	s6 =	sand.u32 $0x1, s3;
	s7 =	sshll.u32 s1, $0x1;
	s3 =	sadd.s32 $0xF600, s4  }
0x8: {  	s9 =	sshll.u32 s1, $0xC;
	_ =	strace $0x8000004A;
	s7 =	sor.u32 s6, s7  }
0x9: {  	s8 =	ssub.s32 $0x2, s6;
	s5 =	sadd.s32 s9, s5;
	s6 =	sshll.u32 s6, $0xB  }
0xa: {  	s7 =	smul.u32 $0x380, s7;
	s10 =	sshrl.u32 s8, $0x1;
	s6 =	sadd.s32 s6, s5  }
0xb: {  	s9 =	simm.s32 $0x1C00;
	s31 =	ssub.s32 s8, s10;
	s6 =	sadd.s32 $0x140000, s6  }
0xc: {  	s8 =	simm.s32 $0x80;
	s10 =	simm.s32 $0x5C00;
	s4 =	sadd.s32 s7, s4  }
0xd: {  	s5 =	smax.u32 s31, $0x1;
	s7 =	simm.s32 $0x3;
	s4 =	sadd.s32 $0x8600, s4  }
.LBB2_1:
0xe: {  	[tilespmem:s2], [sflag:$0x3] =	stream.linear.gather [hbm4b:s4+s2], $0x1900, $0x38;
	[tilespmem:$0x19C00] =	vst v63  }
0xf: {  	_ =	swait.ge [sflag:s7], $0x1900  }
0x10: {  	[sflag:s7] =	ssyncset.done $0x0  }
0x11: {  	[sflag:s7] =	ssyncadd.s32 $0xFFFFE700  }
0x12: {  	[tilespmem:s9], [sflag:$0x1] =	stream.indirect.gather [hbm4b:s3+s8], $0x80, s2, s8, $0xb8;
	[tilespmem:$0x19C00] =	vst v63  }
0x13: {  	_ = 	snop  }
0x14: {  	[tilespmem:s10], [sflag:$0x1] =	stream.indirect.gather [hbm4b:s3+s8], $0x80, s8, s8, $0xb8;
	[tilespmem:$0x19C00] =	vst v63  }
0x15: {  	s16 =	simm.s32 $0x180;
	s17 =	smov.u32 s6;
	s18 =	simm.s32 $0x0  }
0x16: {  	[tilespmem:s12], [sflag:$0x1] =	stream.indirect.gather [hbm4b:s3+s8], $0x80, s11, s8, $0xb8;
	[tilespmem:$0x19C00] =	vst v63  }
.LBB2_2:
0x17: {  	p0 =	slt.u32 s18, $0x3  }
0x18: {  	s19 =	simm.s32 @!p0 $0x2  }
0x19: {  	p1 =	sgt.u32 @!p0 s18, $0x2E;
	_ =	swait.ge @!p0 [sflag:s19], $0x4000  }
0x1a: {  	p1 =	por p0, !p1;
	[sflag:s19] =	ssyncset.done @!p0 $0x0  }
0x1b: {  	[sflag:s19] =	ssyncadd.s32 @!p0 $0xFFFFC000;
	s19 =	sadd.s32 @p1 $0x3, s18  }
0x1c: {  	s20 =	smul.u32 @p1 $0xAB, s19;
	_ =	sdelay $0x1  }
0x1d: {  	s20 =	sshrl.u32 @p1 s20, $0xA  }
0x1e: {  	s20 =	sand.u32 @p1 $0x3F, s20  }
0x1f: {  	s20 =	smul.u32 @p1 $0x6, s20;
	_ =	sdelay $0x1  }
0x20: {  	s19 =	ssub.s32 @p1 s19, s20  }
0x21: {  	s19 =	sand.u32 @p1 $0xFF, s19  }
0x22: {  	s19 =	sshll.u32 @p1 s19, $0xE  }
0x23: {  	s31 =	smul.u32 $0xAB, s18;
	s19 =	sor.u32 @p1 $0x1C00, s19  }
0x24: {  	[tilespmem:s19], [sflag:$0x1] =	stream.indirect.gather @p1 [hbm4b:s3+s8], $0x80, s16, s8, $0xb8;
	[tilespmem:$0x19C00] =	vst v63  }
0x25: {  	s19 =	sshrl.u32 s31, $0xA  }
0x26: {  	s19 =	sand.u32 $0x3F, s19  }
0x27: {  	s19 =	smul.u32 $0x6, s19;
	_ =	sdelay $0x1  }
0x28: {  	s19 =	ssub.s32 s18, s19;
	s18 =	sadd.s32 $0x1, s18  }
0x29: {  	p0 =	sne.s32 s18, $0x32  }
.Ltmp0:
0x2a: {  	_ =	swait.ge [sflag:s13], $0x4000;
	s19 =	sand.u32 $0xFF, s19;
	(pc) =	sbr.rel @p0 .LBB2_2-.Ltmp0, $4  }
0x2b: {  	[sflag:s13] =	ssyncset.done $0x0;
	s19 =	sshll.u32 s19, $0xE  }
0x2c: {  	[sflag:s13] =	ssyncadd.s32 $0xFFFFC000;
	s19 =	sor.u32 $0x1C00, s19  }
0x2d: {  	[hbm4b:s17+s2] =	stream.linear.scatter [tilespmem:s19], [sflag:$0x2], $0x4000, $0x38;
	[tilespmem:$0x19C00] =	vst v63  }
0x2e: {  	s16 =	sadd.s32 $0x80, s16;
	s17 =	sadd.s32 $0x10000, s17  }
0x2f: {  	_ =	swait.ge [sflag:s14], $0x4000  }
0x30: {  	[sflag:s14] =	ssyncset.done $0x0  }
0x31: {  	s15 =	sadd.s32 $0x1, s15;
	[sflag:s14] =	ssyncadd.s32 $0xFFFFC000  }
0x32: {  	p0 =	sne.s32 s15, s5;
	_ =	swait.ge [sflag:s14], $0x4000  }
.Ltmp1:
0x33: {  	[sflag:s14] =	ssyncset.done $0x0;
	(pc) =	sbr.rel @p0 .LBB2_1-.Ltmp1, $4  }
0x34: {  	[sflag:s14] =	ssyncadd.s32 $0xFFFFC000  }
0x35: {  	_ =	swait.ge [sflag:s14], $0x4000  }
0x36: {  	[sflag:s14] =	ssyncset.done $0x0  }
0x37: {  	[sflag:s14] =	ssyncadd.s32 $0xFFFFC000  }
0x38: {  	_ =	sfence.sel $0x180000  }
0x39: {  	[bflag:$0x0] =	sbarrier.arrive $0xFFFF  }
0x3a: {  	p0 =	sne.s32 s1, $0x0;
	_ =	strace $0x9000004A  }
0x3b: {  	s0 =	sadd.s32 @!p0 $0x100000, s0;
	[bflag:$0x2] =	sbarrier.arrive $0xFFFF  }
0x3c: {  	[sflag:s0] =	ssyncadd.tile.s32 @!p0 $0x1;
	_ =	shalt  }
.Lfunc_end2:
_tile_overlayer_lowered:
.L_overlay_start_2:
0x3d: {  	(tag) =	ssettag $0x2  }
0x3e: {  	s0 =	rddreg [dreg:$0x0];
	s2 =	stileid.u32  }
0x3f: {  	s1 =	rddreg [dreg:$0x1];
	p0 =	sne.s32 s2, $0x0  }
0x40: {  	s3 =	rddreg [dreg:$0x2];
	[bflag:$0x3] =	sbarrier.arrive $0xFFFF;
	s2 =	simm.s32 @!p0 $0x1C03  }
0x41: {  	[timem:s3], [sflag:s2] =	dma.local @!p0 [hbm:s0], s1  }
0x42: {  	s0 =	simm.s32 @!p0 $0x3  }
0x43: {  	_ =	swait.ge @!p0 [sflag:s0], s1  }
0x44: {  	s1 =	ssub.s32 @!p0 $0x0, s1;
	[sflag:s0] =	ssyncset.done @!p0 $0x0  }
0x45: {  	[sflag:s0] =	ssyncadd.s32 @!p0 s1  }
0x46: {  	[bflag:$0x3] =	sbarrier.arrive $0xFFFF  }
0x47: {  	_ =	shalt  }

</sc_bundles>
